<compile_context>
chip_gen: v7x
topology: tpu7x:2x2x1
jax: 0.10.2.dev20260603
libtpu: 0.0.44.dev20260713+nightly
codegen_flags: <defaults>
</compile_context>

<pallas_src>
import functools

import jax
import jax.numpy as jnp
from jax import lax
from jax.experimental import pallas as pl
from jax.experimental.pallas import tpu as pltpu
from jax.experimental.pallas import tpu_sc as plsc

D = 128
B = 16384
NW = 32
C = 128
CHUNKS = (B // NW) // C

_mesh = plsc.VectorSubcoreMesh(core_axis_name="c", subcore_axis_name="s")


@functools.partial(
    pl.kernel,
    mesh=_mesh,
    out_type=jax.ShapeDtypeStruct((B, 2 * D), jnp.float32),
    scratch_types=[
        pltpu.VMEM((CHUNKS, C), jnp.int32),
        pltpu.VMEM((CHUNKS, C), jnp.int32),
        pltpu.VMEM((8, D), jnp.float32),
        pltpu.VMEM_SHARED((8, D), jnp.float32),
        pltpu.VMEM((3, C, D), jnp.float32),
        pltpu.VMEM((CHUNKS, C, D), jnp.float32),
        pltpu.SemaphoreType.DMA,
        pltpu.SemaphoreType.DMA,
        pltpu.SemaphoreType.DMA,
        pltpu.SemaphoreType.DMA,
        pltpu.SemaphoreType.DMA,
        pltpu.SemaphoreType.DMA,
        pltpu.SemaphoreType.DMA,
        pltpu.SemaphoreType.DMA,
        pltpu.SemaphoreType.DMA,
        pltpu.SemaphoreType.DMA,
        pltpu.SemaphoreType.DMA,
    ],
)
def _emb_lookup(age_idx_hbm, loc_idx_hbm, age_tab_hbm, loc_tab_hbm, out_hbm,
                aidx_v, lidx_v, atab_v, atab_s, arow_v, lrow_v,
                g0, g1, g2, g3, sg0, sg1, sg2, wa0, wa1, wa2, wl):
    gsems = (g0, g1, g2, g3)
    sgsems = (sg0, sg1, sg2)
    wasems = (wa0, wa1, wa2)
    wid = lax.axis_index("s") * 2 + lax.axis_index("c")
    row0 = wid * CHUNKS
    pltpu.sync_copy(loc_idx_hbm.at[pl.ds(row0, CHUNKS)], lidx_v)

    gl = [pltpu.async_copy(loc_tab_hbm.at[lidx_v.at[ci]], lrow_v.at[ci], gsems[ci])
          for ci in range(CHUNKS)]

    pltpu.sync_copy(age_idx_hbm.at[pl.ds(row0, CHUNKS)], aidx_v)
    @pl.when(lax.axis_index("s") == 0)
    def _():
        pltpu.sync_copy(age_tab_hbm, atab_v)
        pltpu.sync_copy(atab_v, atab_s)

    plsc.subcore_barrier()

    sg = {ci: pltpu.async_copy(atab_s.at[aidx_v.at[ci]], arow_v.at[ci % 3],
                               sgsems[ci % 3])
          for ci in range(3)}

    wa_handles = {}
    wl_handles = []
    for ci in range(CHUNKS):
        sa = ci % 3
        sg.pop(ci).wait()
        base = (row0 + ci) * C
        wa = pltpu.async_copy(
            arow_v.at[sa], out_hbm.at[pl.ds(base, C), pl.ds(0, D)], wasems[sa])
        wa_handles[ci] = wa
        nxt = ci + 3
        if nxt < CHUNKS:
            wa_handles.pop(ci).wait()
            sg[nxt] = pltpu.async_copy(
                atab_s.at[aidx_v.at[nxt]], arow_v.at[nxt % 3], sgsems[nxt % 3])
        gl[ci].wait()
        wlh = pltpu.async_copy(
            lrow_v.at[ci], out_hbm.at[pl.ds(base, C), pl.ds(D, D)], wl)
        wl_handles.append(wlh)
    for h in wa_handles.values():
        h.wait()
    for h in wl_handles:
        h.wait()


def kernel(x1, emb_age, emb_location):
    age_idx = x1[:, 0].astype(jnp.int32).reshape(B // C, C)
    loc_idx = x1[:, 1].astype(jnp.int32).reshape(B // C, C)
    return _emb_lookup(age_idx, loc_idx, emb_age, emb_location)

# --- scband reference (transcript-rebuilt; emitter-appended) ---
"""Pipeline reference for scband-bkuser-loading-28999619183243 (READ-ONLY COPY).

The authoritative reference and input builder live on the scoring server;
editing this copy changes nothing except your own understanding.
"""

import jax, jax.numpy as jnp
import numpy as np

N_AGE = 8
N_LOC = 100000
D = 128
B = 16384

def setup_inputs(seed: int = 0) -> dict:
    key = jax.random.key(seed)
    k1, k2, k3, k4 = jax.random.split(key, 4)
    age_idx = jax.random.randint(k1, (B,), 0, N_AGE)
    loc_idx = jax.random.randint(k2, (B,), 0, N_LOC)
    x1 = jnp.stack([age_idx, loc_idx], axis=1)
    emb_age = jax.random.normal(k3, (N_AGE, D), dtype=jnp.float32) * 0.02
    emb_location = jax.random.normal(k4, (N_LOC, D), dtype=jnp.float32) * 0.02
    return {"x1": x1, "emb_age": emb_age, "emb_location": emb_location}

def reference(x1, emb_age, emb_location):
    age_idx = x1[:, 0]
    location_idx = x1[:, 1]
    age_emb = jnp.take(emb_age, age_idx, axis=0)
    location_emb = jnp.take(emb_location, location_idx, axis=0)
    concat_emb = jnp.concatenate((age_emb, location_emb), axis=1)
    return concat_emb

if __name__ == "__main__":
    import jax
    _d = setup_inputs()
    print(jax.jit(kernel)(*tuple(_d.values())))

</pallas_src>

<mosaic_0001>
#map = affine_map<(d0, d1) -> (0, 0)>
module attributes {stable_mosaic.version = 14 : i64} {
  func.func @_emb_lookup(%arg0: i32, %arg1: i32, %arg2: memref<128x128xi32, #tpu.memory_space<hbm>>, %arg3: memref<128x128xi32, #tpu.memory_space<hbm>>, %arg4: memref<8x128xf32, #tpu.memory_space<hbm>>, %arg5: memref<100000x128xf32, #tpu.memory_space<hbm>>, %arg6: memref<16384x256xf32, #tpu.memory_space<hbm>>, %arg7: memref<4x128xi32, #tpu.memory_space<vmem>>, %arg8: memref<4x128xi32, #tpu.memory_space<vmem>>, %arg9: memref<8x128xf32, #tpu.memory_space<vmem>>, %arg10: memref<8x128xf32, #tpu.memory_space<vmem_shared>>, %arg11: memref<3x128x128xf32, #tpu.memory_space<vmem>>, %arg12: memref<4x128x128xf32, #tpu.memory_space<vmem>>, %arg13: memref<!tpu.dma_semaphore, #tpu.memory_space<semaphore_mem>>, %arg14: memref<!tpu.dma_semaphore, #tpu.memory_space<semaphore_mem>>, %arg15: memref<!tpu.dma_semaphore, #tpu.memory_space<semaphore_mem>>, %arg16: memref<!tpu.dma_semaphore, #tpu.memory_space<semaphore_mem>>, %arg17: memref<!tpu.dma_semaphore, #tpu.memory_space<semaphore_mem>>, %arg18: memref<!tpu.dma_semaphore, #tpu.memory_space<semaphore_mem>>, %arg19: memref<!tpu.dma_semaphore, #tpu.memory_space<semaphore_mem>>, %arg20: memref<!tpu.dma_semaphore, #tpu.memory_space<semaphore_mem>>, %arg21: memref<!tpu.dma_semaphore, #tpu.memory_space<semaphore_mem>>, %arg22: memref<!tpu.dma_semaphore, #tpu.memory_space<semaphore_mem>>, %arg23: memref<!tpu.dma_semaphore, #tpu.memory_space<semaphore_mem>>) attributes {dimension_semantics = [#tpu.dimension_semantics<core_parallel>, #tpu.dimension_semantics<subcore_parallel>], iteration_bounds = array<i64: 2, 16>, scalar_prefetch = 0 : i64, scratch_operands = 17 : i64, tpu.core_type = #tpu.core_type<sc_vector_subcore>, window_params = [{transform_indices = #map}, {transform_indices = #map}, {transform_indices = #map}, {transform_indices = #map}, {transform_indices = #map}]} {
    %mul3A = arith.constant 2 : i32
    %mul3A_0 = arith.muli %arg1, %mul3A : i32
    %add3A = arith.addi %mul3A_0, %arg0 : i32
    %mul3A_1 = arith.constant 4 : i32
    %mul3A_2 = arith.muli %add3A, %mul3A_1 : i32
    "tpu.region"() ({
      %run_scoped3A = tpu.sem_alloc : memref<!tpu.dma_semaphore, #tpu.memory_space<semaphore_mem>>
      %dma_start3A_419 = arith.constant 0 : i32
      %dma_start3A_420 = tpu.memref_slice %arg3[%mul3A_2, %dma_start3A_419] : memref<128x128xi32, #tpu.memory_space<hbm>> -> memref<4x128xi32, #tpu.memory_space<hbm>>
      %dma_start3A_421 = arith.constant 0 : i32
      %dma_start3A_422 = tpu.memref_slice %arg3[%mul3A_2, %dma_start3A_421] : memref<128x128xi32, #tpu.memory_space<hbm>> -> memref<4x128xi32, #tpu.memory_space<hbm>>
      tpu.enqueue_dma source(%dma_start3A_422 : memref<4x128xi32, #tpu.memory_space<hbm>>) target(%arg8 : memref<4x128xi32, #tpu.memory_space<vmem>>) target_semaphore(%run_scoped3A : memref<!tpu.dma_semaphore, #tpu.memory_space<semaphore_mem>>)
      %dma_wait3A_423 = arith.constant 0 : i32
      %dma_wait3A_424 = tpu.memref_slice %arg3[%mul3A_2, %dma_wait3A_423] : memref<128x128xi32, #tpu.memory_space<hbm>> -> memref<4x128xi32, #tpu.memory_space<hbm>>
      %dma_wait3A_425 = arith.constant 0 : i32
      %dma_wait3A_426 = tpu.memref_slice %arg3[%mul3A_2, %dma_wait3A_425] : memref<128x128xi32, #tpu.memory_space<hbm>> -> memref<4x128xi32, #tpu.memory_space<hbm>>
      tpu.wait_dma2 semaphore(%run_scoped3A : memref<!tpu.dma_semaphore, #tpu.memory_space<semaphore_mem>>) src(%dma_wait3A_426 : memref<4x128xi32, #tpu.memory_space<hbm>>) dst(%arg8 : memref<4x128xi32, #tpu.memory_space<vmem>>)
      tpu.yield
    }) : () -> ()
    %dma_start3A = arith.constant 0 : i32
    %dma_start3A_3 = arith.constant 0 : i32
    %dma_start3A_4 = arith.constant 0 : i32
    %dma_start3A_5 = arith.constant 0 : i32
    %dma_start3A_6 = tpu.memref_slice %arg12[%dma_start3A_3, %dma_start3A_4, %dma_start3A_5] : memref<4x128x128xf32, #tpu.memory_space<vmem>> -> memref<1x128x128xf32, #tpu.memory_space<vmem>>
    %dma_start3A_7 = tpu.memref_squeeze %dma_start3A_6 : memref<1x128x128xf32, #tpu.memory_space<vmem>> -> memref<128x128xf32, #tpu.memory_space<vmem>>
    %dma_start3A_8 = arith.constant 0 : i32
    %dma_start3A_9 = tpu.memref_slice %arg8[%dma_start3A, %dma_start3A_8] : memref<4x128xi32, #tpu.memory_space<vmem>> -> memref<1x128xi32, #tpu.memory_space<vmem>>
    %dma_start3A_10 = tpu.memref_squeeze %dma_start3A_9 : memref<1x128xi32, #tpu.memory_space<vmem>> -> memref<128xi32, #tpu.memory_space<vmem>>
    %dma_start3A_11 = arith.constant 0 : i32
    %dma_start3A_12 = arith.constant 0 : i32
    %dma_start3A_13 = tpu.memref_slice %arg5[%dma_start3A_11, %dma_start3A_12] : memref<100000x128xf32, #tpu.memory_space<hbm>> -> memref<100000x128xf32, #tpu.memory_space<hbm>>
    tpu.enqueue_indirect_dma source(%dma_start3A_13 : memref<100000x128xf32, #tpu.memory_space<hbm>>) target(%dma_start3A_7 : memref<128x128xf32, #tpu.memory_space<vmem>>) offsets(%dma_start3A_10 : memref<128xi32, #tpu.memory_space<vmem>>) semaphore(%arg13 : memref<!tpu.dma_semaphore, #tpu.memory_space<semaphore_mem>>)
    %dma_start3A_14 = arith.constant 1 : i32
    %dma_start3A_15 = arith.constant 1 : i32
    %dma_start3A_16 = arith.constant 0 : i32
    %dma_start3A_17 = arith.constant 0 : i32
    %dma_start3A_18 = tpu.memref_slice %arg12[%dma_start3A_15, %dma_start3A_16, %dma_start3A_17] : memref<4x128x128xf32, #tpu.memory_space<vmem>> -> memref<1x128x128xf32, #tpu.memory_space<vmem>>
    %dma_start3A_19 = tpu.memref_squeeze %dma_start3A_18 : memref<1x128x128xf32, #tpu.memory_space<vmem>> -> memref<128x128xf32, #tpu.memory_space<vmem>>
    %dma_start3A_20 = arith.constant 0 : i32
    %dma_start3A_21 = tpu.memref_slice %arg8[%dma_start3A_14, %dma_start3A_20] : memref<4x128xi32, #tpu.memory_space<vmem>> -> memref<1x128xi32, #tpu.memory_space<vmem>>
    %dma_start3A_22 = tpu.memref_squeeze %dma_start3A_21 : memref<1x128xi32, #tpu.memory_space<vmem>> -> memref<128xi32, #tpu.memory_space<vmem>>
    %dma_start3A_23 = arith.constant 0 : i32
    %dma_start3A_24 = arith.constant 0 : i32
    %dma_start3A_25 = tpu.memref_slice %arg5[%dma_start3A_23, %dma_start3A_24] : memref<100000x128xf32, #tpu.memory_space<hbm>> -> memref<100000x128xf32, #tpu.memory_space<hbm>>
    tpu.enqueue_indirect_dma source(%dma_start3A_25 : memref<100000x128xf32, #tpu.memory_space<hbm>>) target(%dma_start3A_19 : memref<128x128xf32, #tpu.memory_space<vmem>>) offsets(%dma_start3A_22 : memref<128xi32, #tpu.memory_space<vmem>>) semaphore(%arg14 : memref<!tpu.dma_semaphore, #tpu.memory_space<semaphore_mem>>)
    %dma_start3A_26 = arith.constant 2 : i32
    %dma_start3A_27 = arith.constant 2 : i32
    %dma_start3A_28 = arith.constant 0 : i32
    %dma_start3A_29 = arith.constant 0 : i32
    %dma_start3A_30 = tpu.memref_slice %arg12[%dma_start3A_27, %dma_start3A_28, %dma_start3A_29] : memref<4x128x128xf32, #tpu.memory_space<vmem>> -> memref<1x128x128xf32, #tpu.memory_space<vmem>>
    %dma_start3A_31 = tpu.memref_squeeze %dma_start3A_30 : memref<1x128x128xf32, #tpu.memory_space<vmem>> -> memref<128x128xf32, #tpu.memory_space<vmem>>
    %dma_start3A_32 = arith.constant 0 : i32
    %dma_start3A_33 = tpu.memref_slice %arg8[%dma_start3A_26, %dma_start3A_32] : memref<4x128xi32, #tpu.memory_space<vmem>> -> memref<1x128xi32, #tpu.memory_space<vmem>>
    %dma_start3A_34 = tpu.memref_squeeze %dma_start3A_33 : memref<1x128xi32, #tpu.memory_space<vmem>> -> memref<128xi32, #tpu.memory_space<vmem>>
    %dma_start3A_35 = arith.constant 0 : i32
    %dma_start3A_36 = arith.constant 0 : i32
    %dma_start3A_37 = tpu.memref_slice %arg5[%dma_start3A_35, %dma_start3A_36] : memref<100000x128xf32, #tpu.memory_space<hbm>> -> memref<100000x128xf32, #tpu.memory_space<hbm>>
    tpu.enqueue_indirect_dma source(%dma_start3A_37 : memref<100000x128xf32, #tpu.memory_space<hbm>>) target(%dma_start3A_31 : memref<128x128xf32, #tpu.memory_space<vmem>>) offsets(%dma_start3A_34 : memref<128xi32, #tpu.memory_space<vmem>>) semaphore(%arg15 : memref<!tpu.dma_semaphore, #tpu.memory_space<semaphore_mem>>)
    %dma_start3A_38 = arith.constant 3 : i32
    %dma_start3A_39 = arith.constant 3 : i32
    %dma_start3A_40 = arith.constant 0 : i32
    %dma_start3A_41 = arith.constant 0 : i32
    %dma_start3A_42 = tpu.memref_slice %arg12[%dma_start3A_39, %dma_start3A_40, %dma_start3A_41] : memref<4x128x128xf32, #tpu.memory_space<vmem>> -> memref<1x128x128xf32, #tpu.memory_space<vmem>>
    %dma_start3A_43 = tpu.memref_squeeze %dma_start3A_42 : memref<1x128x128xf32, #tpu.memory_space<vmem>> -> memref<128x128xf32, #tpu.memory_space<vmem>>
    %dma_start3A_44 = arith.constant 0 : i32
    %dma_start3A_45 = tpu.memref_slice %arg8[%dma_start3A_38, %dma_start3A_44] : memref<4x128xi32, #tpu.memory_space<vmem>> -> memref<1x128xi32, #tpu.memory_space<vmem>>
    %dma_start3A_46 = tpu.memref_squeeze %dma_start3A_45 : memref<1x128xi32, #tpu.memory_space<vmem>> -> memref<128xi32, #tpu.memory_space<vmem>>
    %dma_start3A_47 = arith.constant 0 : i32
    %dma_start3A_48 = arith.constant 0 : i32
    %dma_start3A_49 = tpu.memref_slice %arg5[%dma_start3A_47, %dma_start3A_48] : memref<100000x128xf32, #tpu.memory_space<hbm>> -> memref<100000x128xf32, #tpu.memory_space<hbm>>
    tpu.enqueue_indirect_dma source(%dma_start3A_49 : memref<100000x128xf32, #tpu.memory_space<hbm>>) target(%dma_start3A_43 : memref<128x128xf32, #tpu.memory_space<vmem>>) offsets(%dma_start3A_46 : memref<128xi32, #tpu.memory_space<vmem>>) semaphore(%arg16 : memref<!tpu.dma_semaphore, #tpu.memory_space<semaphore_mem>>)
    "tpu.region"() ({
      %run_scoped3A = tpu.sem_alloc : memref<!tpu.dma_semaphore, #tpu.memory_space<semaphore_mem>>
      %dma_start3A_419 = arith.constant 0 : i32
      %dma_start3A_420 = tpu.memref_slice %arg2[%mul3A_2, %dma_start3A_419] : memref<128x128xi32, #tpu.memory_space<hbm>> -> memref<4x128xi32, #tpu.memory_space<hbm>>
      %dma_start3A_421 = arith.constant 0 : i32
      %dma_start3A_422 = tpu.memref_slice %arg2[%mul3A_2, %dma_start3A_421] : memref<128x128xi32, #tpu.memory_space<hbm>> -> memref<4x128xi32, #tpu.memory_space<hbm>>
      tpu.enqueue_dma source(%dma_start3A_422 : memref<4x128xi32, #tpu.memory_space<hbm>>) target(%arg7 : memref<4x128xi32, #tpu.memory_space<vmem>>) target_semaphore(%run_scoped3A : memref<!tpu.dma_semaphore, #tpu.memory_space<semaphore_mem>>)
      %dma_wait3A_423 = arith.constant 0 : i32
      %dma_wait3A_424 = tpu.memref_slice %arg2[%mul3A_2, %dma_wait3A_423] : memref<128x128xi32, #tpu.memory_space<hbm>> -> memref<4x128xi32, #tpu.memory_space<hbm>>
      %dma_wait3A_425 = arith.constant 0 : i32
      %dma_wait3A_426 = tpu.memref_slice %arg2[%mul3A_2, %dma_wait3A_425] : memref<128x128xi32, #tpu.memory_space<hbm>> -> memref<4x128xi32, #tpu.memory_space<hbm>>
      tpu.wait_dma2 semaphore(%run_scoped3A : memref<!tpu.dma_semaphore, #tpu.memory_space<semaphore_mem>>) src(%dma_wait3A_426 : memref<4x128xi32, #tpu.memory_space<hbm>>) dst(%arg7 : memref<4x128xi32, #tpu.memory_space<vmem>>)
      tpu.yield
    }) : () -> ()
    %eq3A = arith.constant 0 : i32
    %eq3A_50 = arith.cmpi eq, %arg1, %eq3A : i32
    %convert_element_type3A = arith.extui %eq3A_50 : i1 to i32
    %cond3A = arith.constant 0 : i32
    %cond3A_51 = arith.cmpi ne, %convert_element_type3A, %cond3A : i32
    scf.if %cond3A_51 {
      "tpu.region"() ({
        %run_scoped3A = tpu.sem_alloc : memref<!tpu.dma_semaphore, #tpu.memory_space<semaphore_mem>>
        tpu.enqueue_dma source(%arg4 : memref<8x128xf32, #tpu.memory_space<hbm>>) target(%arg9 : memref<8x128xf32, #tpu.memory_space<vmem>>) target_semaphore(%run_scoped3A : memref<!tpu.dma_semaphore, #tpu.memory_space<semaphore_mem>>)
        tpu.wait_dma2 semaphore(%run_scoped3A : memref<!tpu.dma_semaphore, #tpu.memory_space<semaphore_mem>>) src(%arg4 : memref<8x128xf32, #tpu.memory_space<hbm>>) dst(%arg9 : memref<8x128xf32, #tpu.memory_space<vmem>>)
        tpu.yield
      }) : () -> ()
      "tpu.region"() ({
        %run_scoped3A = tpu.sem_alloc : memref<!tpu.dma_semaphore, #tpu.memory_space<semaphore_mem>>
        tpu.enqueue_dma source(%arg9 : memref<8x128xf32, #tpu.memory_space<vmem>>) target(%arg10 : memref<8x128xf32, #tpu.memory_space<vmem_shared>>) target_semaphore(%run_scoped3A : memref<!tpu.dma_semaphore, #tpu.memory_space<semaphore_mem>>)
        tpu.wait_dma2 semaphore(%run_scoped3A : memref<!tpu.dma_semaphore, #tpu.memory_space<semaphore_mem>>) src(%arg9 : memref<8x128xf32, #tpu.memory_space<vmem>>) dst(%arg10 : memref<8x128xf32, #tpu.memory_space<vmem_shared>>)
        tpu.yield
      }) : () -> ()
    } else {
    }
    %barrier3A = arith.constant 0 : index
    tpu.barrier barrier_id(%barrier3A)
    %dma_start3A_52 = arith.constant 0 : i32
    %dma_start3A_53 = arith.constant 0 : i32
    %dma_start3A_54 = arith.constant 0 : i32
    %dma_start3A_55 = arith.constant 0 : i32
    %dma_start3A_56 = tpu.memref_slice %arg11[%dma_start3A_53, %dma_start3A_54, %dma_start3A_55] : memref<3x128x128xf32, #tpu.memory_space<vmem>> -> memref<1x128x128xf32, #tpu.memory_space<vmem>>
    %dma_start3A_57 = tpu.memref_squeeze %dma_start3A_56 : memref<1x128x128xf32, #tpu.memory_space<vmem>> -> memref<128x128xf32, #tpu.memory_space<vmem>>
    %dma_start3A_58 = arith.constant 0 : i32
    %dma_start3A_59 = tpu.memref_slice %arg7[%dma_start3A_52, %dma_start3A_58] : memref<4x128xi32, #tpu.memory_space<vmem>> -> memref<1x128xi32, #tpu.memory_space<vmem>>
    %dma_start3A_60 = tpu.memref_squeeze %dma_start3A_59 : memref<1x128xi32, #tpu.memory_space<vmem>> -> memref<128xi32, #tpu.memory_space<vmem>>
    %dma_start3A_61 = arith.constant 0 : i32
    %dma_start3A_62 = arith.constant 0 : i32
    %dma_start3A_63 = tpu.memref_slice %arg10[%dma_start3A_61, %dma_start3A_62] : memref<8x128xf32, #tpu.memory_space<vmem_shared>> -> memref<8x128xf32, #tpu.memory_space<vmem_shared>>
    tpu.enqueue_indirect_dma source(%dma_start3A_63 : memref<8x128xf32, #tpu.memory_space<vmem_shared>>) target(%dma_start3A_57 : memref<128x128xf32, #tpu.memory_space<vmem>>) offsets(%dma_start3A_60 : memref<128xi32, #tpu.memory_space<vmem>>) semaphore(%arg17 : memref<!tpu.dma_semaphore, #tpu.memory_space<semaphore_mem>>)
    %dma_start3A_64 = arith.constant 1 : i32
    %dma_start3A_65 = arith.constant 1 : i32
    %dma_start3A_66 = arith.constant 0 : i32
    %dma_start3A_67 = arith.constant 0 : i32
    %dma_start3A_68 = tpu.memref_slice %arg11[%dma_start3A_65, %dma_start3A_66, %dma_start3A_67] : memref<3x128x128xf32, #tpu.memory_space<vmem>> -> memref<1x128x128xf32, #tpu.memory_space<vmem>>
    %dma_start3A_69 = tpu.memref_squeeze %dma_start3A_68 : memref<1x128x128xf32, #tpu.memory_space<vmem>> -> memref<128x128xf32, #tpu.memory_space<vmem>>
    %dma_start3A_70 = arith.constant 0 : i32
    %dma_start3A_71 = tpu.memref_slice %arg7[%dma_start3A_64, %dma_start3A_70] : memref<4x128xi32, #tpu.memory_space<vmem>> -> memref<1x128xi32, #tpu.memory_space<vmem>>
    %dma_start3A_72 = tpu.memref_squeeze %dma_start3A_71 : memref<1x128xi32, #tpu.memory_space<vmem>> -> memref<128xi32, #tpu.memory_space<vmem>>
    %dma_start3A_73 = arith.constant 0 : i32
    %dma_start3A_74 = arith.constant 0 : i32
    %dma_start3A_75 = tpu.memref_slice %arg10[%dma_start3A_73, %dma_start3A_74] : memref<8x128xf32, #tpu.memory_space<vmem_shared>> -> memref<8x128xf32, #tpu.memory_space<vmem_shared>>
    tpu.enqueue_indirect_dma source(%dma_start3A_75 : memref<8x128xf32, #tpu.memory_space<vmem_shared>>) target(%dma_start3A_69 : memref<128x128xf32, #tpu.memory_space<vmem>>) offsets(%dma_start3A_72 : memref<128xi32, #tpu.memory_space<vmem>>) semaphore(%arg18 : memref<!tpu.dma_semaphore, #tpu.memory_space<semaphore_mem>>)
    %dma_start3A_76 = arith.constant 2 : i32
    %dma_start3A_77 = arith.constant 2 : i32
    %dma_start3A_78 = arith.constant 0 : i32
    %dma_start3A_79 = arith.constant 0 : i32
    %dma_start3A_80 = tpu.memref_slice %arg11[%dma_start3A_77, %dma_start3A_78, %dma_start3A_79] : memref<3x128x128xf32, #tpu.memory_space<vmem>> -> memref<1x128x128xf32, #tpu.memory_space<vmem>>
    %dma_start3A_81 = tpu.memref_squeeze %dma_start3A_80 : memref<1x128x128xf32, #tpu.memory_space<vmem>> -> memref<128x128xf32, #tpu.memory_space<vmem>>
    %dma_start3A_82 = arith.constant 0 : i32
    %dma_start3A_83 = tpu.memref_slice %arg7[%dma_start3A_76, %dma_start3A_82] : memref<4x128xi32, #tpu.memory_space<vmem>> -> memref<1x128xi32, #tpu.memory_space<vmem>>
    %dma_start3A_84 = tpu.memref_squeeze %dma_start3A_83 : memref<1x128xi32, #tpu.memory_space<vmem>> -> memref<128xi32, #tpu.memory_space<vmem>>
    %dma_start3A_85 = arith.constant 0 : i32
    %dma_start3A_86 = arith.constant 0 : i32
    %dma_start3A_87 = tpu.memref_slice %arg10[%dma_start3A_85, %dma_start3A_86] : memref<8x128xf32, #tpu.memory_space<vmem_shared>> -> memref<8x128xf32, #tpu.memory_space<vmem_shared>>
    tpu.enqueue_indirect_dma source(%dma_start3A_87 : memref<8x128xf32, #tpu.memory_space<vmem_shared>>) target(%dma_start3A_81 : memref<128x128xf32, #tpu.memory_space<vmem>>) offsets(%dma_start3A_84 : memref<128xi32, #tpu.memory_space<vmem>>) semaphore(%arg19 : memref<!tpu.dma_semaphore, #tpu.memory_space<semaphore_mem>>)
    %dma_wait3A = arith.constant 0 : i32
    %dma_wait3A_88 = arith.constant 0 : i32
    %dma_wait3A_89 = arith.constant 0 : i32
    %dma_wait3A_90 = arith.constant 0 : i32
    %dma_wait3A_91 = tpu.memref_slice %arg11[%dma_wait3A_88, %dma_wait3A_89, %dma_wait3A_90] : memref<3x128x128xf32, #tpu.memory_space<vmem>> -> memref<1x128x128xf32, #tpu.memory_space<vmem>>
    %dma_wait3A_92 = tpu.memref_squeeze %dma_wait3A_91 : memref<1x128x128xf32, #tpu.memory_space<vmem>> -> memref<128x128xf32, #tpu.memory_space<vmem>>
    %dma_wait3A_93 = arith.constant 0 : i32
    %dma_wait3A_94 = tpu.memref_slice %arg7[%dma_wait3A, %dma_wait3A_93] : memref<4x128xi32, #tpu.memory_space<vmem>> -> memref<1x128xi32, #tpu.memory_space<vmem>>
    %dma_wait3A_95 = tpu.memref_squeeze %dma_wait3A_94 : memref<1x128xi32, #tpu.memory_space<vmem>> -> memref<128xi32, #tpu.memory_space<vmem>>
    %dma_wait3A_96 = arith.constant 0 : i32
    %dma_wait3A_97 = arith.constant 0 : i32
    %dma_wait3A_98 = tpu.memref_slice %arg10[%dma_wait3A_96, %dma_wait3A_97] : memref<8x128xf32, #tpu.memory_space<vmem_shared>> -> memref<8x128xf32, #tpu.memory_space<vmem_shared>>
    tpu.wait_indirect_dma semaphore(%arg17 : memref<!tpu.dma_semaphore, #tpu.memory_space<semaphore_mem>>) src(%dma_wait3A_98 : memref<8x128xf32, #tpu.memory_space<vmem_shared>>) dst(%dma_wait3A_92 : memref<128x128xf32, #tpu.memory_space<vmem>>)
    %add3A_99 = arith.constant 0 : i32
    %add3A_100 = arith.addi %mul3A_2, %add3A_99 : i32
    %mul3A_101 = arith.constant 128 : i32
    %mul3A_102 = arith.muli %add3A_100, %mul3A_101 : i32
    %dma_start3A_103 = arith.constant 0 : i32
    %dma_start3A_104 = arith.constant 0 : i32
    %dma_start3A_105 = arith.constant 0 : i32
    %dma_start3A_106 = tpu.memref_slice %arg11[%dma_start3A_103, %dma_start3A_104, %dma_start3A_105] : memref<3x128x128xf32, #tpu.memory_space<vmem>> -> memref<1x128x128xf32, #tpu.memory_space<vmem>>
    %dma_start3A_107 = tpu.memref_squeeze %dma_start3A_106 : memref<1x128x128xf32, #tpu.memory_space<vmem>> -> memref<128x128xf32, #tpu.memory_space<vmem>>
    %dma_start3A_108 = arith.constant 0 : i32
    %dma_start3A_109 = tpu.memref_slice %arg6[%mul3A_102, %dma_start3A_108] : memref<16384x256xf32, #tpu.memory_space<hbm>> -> memref<128x128xf32, #tpu.memory_space<hbm>>
    %dma_start3A_110 = arith.constant 0 : i32
    %dma_start3A_111 = tpu.memref_slice %arg6[%mul3A_102, %dma_start3A_110] : memref<16384x256xf32, #tpu.memory_space<hbm>> -> memref<128x128xf32, #tpu.memory_space<hbm>>
    %dma_start3A_112 = arith.constant 0 : i32
    %dma_start3A_113 = arith.constant 0 : i32
    %dma_start3A_114 = tpu.memref_slice %arg11[%dma_start3A_103, %dma_start3A_112, %dma_start3A_113] : memref<3x128x128xf32, #tpu.memory_space<vmem>> -> memref<1x128x128xf32, #tpu.memory_space<vmem>>
    %dma_start3A_115 = tpu.memref_squeeze %dma_start3A_114 : memref<1x128x128xf32, #tpu.memory_space<vmem>> -> memref<128x128xf32, #tpu.memory_space<vmem>>
    tpu.enqueue_dma source(%dma_start3A_115 : memref<128x128xf32, #tpu.memory_space<vmem>>) target(%dma_start3A_111 : memref<128x128xf32, #tpu.memory_space<hbm>>) target_semaphore(%arg20 : memref<!tpu.dma_semaphore, #tpu.memory_space<semaphore_mem>>)
    %dma_wait3A_116 = arith.constant 0 : i32
    %dma_wait3A_117 = arith.constant 0 : i32
    %dma_wait3A_118 = arith.constant 0 : i32
    %dma_wait3A_119 = tpu.memref_slice %arg11[%dma_wait3A_116, %dma_wait3A_117, %dma_wait3A_118] : memref<3x128x128xf32, #tpu.memory_space<vmem>> -> memref<1x128x128xf32, #tpu.memory_space<vmem>>
    %dma_wait3A_120 = tpu.memref_squeeze %dma_wait3A_119 : memref<1x128x128xf32, #tpu.memory_space<vmem>> -> memref<128x128xf32, #tpu.memory_space<vmem>>
    %dma_wait3A_121 = arith.constant 0 : i32
    %dma_wait3A_122 = tpu.memref_slice %arg6[%mul3A_102, %dma_wait3A_121] : memref<16384x256xf32, #tpu.memory_space<hbm>> -> memref<128x128xf32, #tpu.memory_space<hbm>>
    %dma_wait3A_123 = arith.constant 0 : i32
    %dma_wait3A_124 = tpu.memref_slice %arg6[%mul3A_102, %dma_wait3A_123] : memref<16384x256xf32, #tpu.memory_space<hbm>> -> memref<128x128xf32, #tpu.memory_space<hbm>>
    %dma_wait3A_125 = arith.constant 0 : i32
    %dma_wait3A_126 = arith.constant 0 : i32
    %dma_wait3A_127 = tpu.memref_slice %arg11[%dma_wait3A_116, %dma_wait3A_125, %dma_wait3A_126] : memref<3x128x128xf32, #tpu.memory_space<vmem>> -> memref<1x128x128xf32, #tpu.memory_space<vmem>>
    %dma_wait3A_128 = tpu.memref_squeeze %dma_wait3A_127 : memref<1x128x128xf32, #tpu.memory_space<vmem>> -> memref<128x128xf32, #tpu.memory_space<vmem>>
    tpu.wait_dma2 semaphore(%arg20 : memref<!tpu.dma_semaphore, #tpu.memory_space<semaphore_mem>>) src(%dma_wait3A_128 : memref<128x128xf32, #tpu.memory_space<vmem>>) dst(%dma_wait3A_124 : memref<128x128xf32, #tpu.memory_space<hbm>>)
    %dma_start3A_129 = arith.constant 3 : i32
    %dma_start3A_130 = arith.constant 0 : i32
    %dma_start3A_131 = arith.constant 0 : i32
    %dma_start3A_132 = arith.constant 0 : i32
    %dma_start3A_133 = tpu.memref_slice %arg11[%dma_start3A_130, %dma_start3A_131, %dma_start3A_132] : memref<3x128x128xf32, #tpu.memory_space<vmem>> -> memref<1x128x128xf32, #tpu.memory_space<vmem>>
    %dma_start3A_134 = tpu.memref_squeeze %dma_start3A_133 : memref<1x128x128xf32, #tpu.memory_space<vmem>> -> memref<128x128xf32, #tpu.memory_space<vmem>>
    %dma_start3A_135 = arith.constant 0 : i32
    %dma_start3A_136 = tpu.memref_slice %arg7[%dma_start3A_129, %dma_start3A_135] : memref<4x128xi32, #tpu.memory_space<vmem>> -> memref<1x128xi32, #tpu.memory_space<vmem>>
    %dma_start3A_137 = tpu.memref_squeeze %dma_start3A_136 : memref<1x128xi32, #tpu.memory_space<vmem>> -> memref<128xi32, #tpu.memory_space<vmem>>
    %dma_start3A_138 = arith.constant 0 : i32
    %dma_start3A_139 = arith.constant 0 : i32
    %dma_start3A_140 = tpu.memref_slice %arg10[%dma_start3A_138, %dma_start3A_139] : memref<8x128xf32, #tpu.memory_space<vmem_shared>> -> memref<8x128xf32, #tpu.memory_space<vmem_shared>>
    tpu.enqueue_indirect_dma source(%dma_start3A_140 : memref<8x128xf32, #tpu.memory_space<vmem_shared>>) target(%dma_start3A_134 : memref<128x128xf32, #tpu.memory_space<vmem>>) offsets(%dma_start3A_137 : memref<128xi32, #tpu.memory_space<vmem>>) semaphore(%arg17 : memref<!tpu.dma_semaphore, #tpu.memory_space<semaphore_mem>>)
    %dma_wait3A_141 = arith.constant 0 : i32
    %dma_wait3A_142 = arith.constant 0 : i32
    %dma_wait3A_143 = arith.constant 0 : i32
    %dma_wait3A_144 = arith.constant 0 : i32
    %dma_wait3A_145 = tpu.memref_slice %arg12[%dma_wait3A_142, %dma_wait3A_143, %dma_wait3A_144] : memref<4x128x128xf32, #tpu.memory_space<vmem>> -> memref<1x128x128xf32, #tpu.memory_space<vmem>>
    %dma_wait3A_146 = tpu.memref_squeeze %dma_wait3A_145 : memref<1x128x128xf32, #tpu.memory_space<vmem>> -> memref<128x128xf32, #tpu.memory_space<vmem>>
    %dma_wait3A_147 = arith.constant 0 : i32
    %dma_wait3A_148 = tpu.memref_slice %arg8[%dma_wait3A_141, %dma_wait3A_147] : memref<4x128xi32, #tpu.memory_space<vmem>> -> memref<1x128xi32, #tpu.memory_space<vmem>>
    %dma_wait3A_149 = tpu.memref_squeeze %dma_wait3A_148 : memref<1x128xi32, #tpu.memory_space<vmem>> -> memref<128xi32, #tpu.memory_space<vmem>>
    %dma_wait3A_150 = arith.constant 0 : i32
    %dma_wait3A_151 = arith.constant 0 : i32
    %dma_wait3A_152 = tpu.memref_slice %arg5[%dma_wait3A_150, %dma_wait3A_151] : memref<100000x128xf32, #tpu.memory_space<hbm>> -> memref<100000x128xf32, #tpu.memory_space<hbm>>
    tpu.wait_indirect_dma semaphore(%arg13 : memref<!tpu.dma_semaphore, #tpu.memory_space<semaphore_mem>>) src(%dma_wait3A_152 : memref<100000x128xf32, #tpu.memory_space<hbm>>) dst(%dma_wait3A_146 : memref<128x128xf32, #tpu.memory_space<vmem>>)
    %dma_start3A_153 = arith.constant 0 : i32
    %dma_start3A_154 = arith.constant 0 : i32
    %dma_start3A_155 = arith.constant 0 : i32
    %dma_start3A_156 = tpu.memref_slice %arg12[%dma_start3A_153, %dma_start3A_154, %dma_start3A_155] : memref<4x128x128xf32, #tpu.memory_space<vmem>> -> memref<1x128x128xf32, #tpu.memory_space<vmem>>
    %dma_start3A_157 = tpu.memref_squeeze %dma_start3A_156 : memref<1x128x128xf32, #tpu.memory_space<vmem>> -> memref<128x128xf32, #tpu.memory_space<vmem>>
    %dma_start3A_158 = arith.constant 128 : i32
    %dma_start3A_159 = tpu.memref_slice %arg6[%mul3A_102, %dma_start3A_158] : memref<16384x256xf32, #tpu.memory_space<hbm>> -> memref<128x128xf32, #tpu.memory_space<hbm>>
    %dma_start3A_160 = arith.constant 128 : i32
    %dma_start3A_161 = tpu.memref_slice %arg6[%mul3A_102, %dma_start3A_160] : memref<16384x256xf32, #tpu.memory_space<hbm>> -> memref<128x128xf32, #tpu.memory_space<hbm>>
    %dma_start3A_162 = arith.constant 0 : i32
    %dma_start3A_163 = arith.constant 0 : i32
    %dma_start3A_164 = tpu.memref_slice %arg12[%dma_start3A_153, %dma_start3A_162, %dma_start3A_163] : memref<4x128x128xf32, #tpu.memory_space<vmem>> -> memref<1x128x128xf32, #tpu.memory_space<vmem>>
    %dma_start3A_165 = tpu.memref_squeeze %dma_start3A_164 : memref<1x128x128xf32, #tpu.memory_space<vmem>> -> memref<128x128xf32, #tpu.memory_space<vmem>>
    tpu.enqueue_dma source(%dma_start3A_165 : memref<128x128xf32, #tpu.memory_space<vmem>>) target(%dma_start3A_161 : memref<128x128xf32, #tpu.memory_space<hbm>>) target_semaphore(%arg23 : memref<!tpu.dma_semaphore, #tpu.memory_space<semaphore_mem>>)
    %dma_wait3A_166 = arith.constant 1 : i32
    %dma_wait3A_167 = arith.constant 1 : i32
    %dma_wait3A_168 = arith.constant 0 : i32
    %dma_wait3A_169 = arith.constant 0 : i32
    %dma_wait3A_170 = tpu.memref_slice %arg11[%dma_wait3A_167, %dma_wait3A_168, %dma_wait3A_169] : memref<3x128x128xf32, #tpu.memory_space<vmem>> -> memref<1x128x128xf32, #tpu.memory_space<vmem>>
    %dma_wait3A_171 = tpu.memref_squeeze %dma_wait3A_170 : memref<1x128x128xf32, #tpu.memory_space<vmem>> -> memref<128x128xf32, #tpu.memory_space<vmem>>
    %dma_wait3A_172 = arith.constant 0 : i32
    %dma_wait3A_173 = tpu.memref_slice %arg7[%dma_wait3A_166, %dma_wait3A_172] : memref<4x128xi32, #tpu.memory_space<vmem>> -> memref<1x128xi32, #tpu.memory_space<vmem>>
    %dma_wait3A_174 = tpu.memref_squeeze %dma_wait3A_173 : memref<1x128xi32, #tpu.memory_space<vmem>> -> memref<128xi32, #tpu.memory_space<vmem>>
    %dma_wait3A_175 = arith.constant 0 : i32
    %dma_wait3A_176 = arith.constant 0 : i32
    %dma_wait3A_177 = tpu.memref_slice %arg10[%dma_wait3A_175, %dma_wait3A_176] : memref<8x128xf32, #tpu.memory_space<vmem_shared>> -> memref<8x128xf32, #tpu.memory_space<vmem_shared>>
    tpu.wait_indirect_dma semaphore(%arg18 : memref<!tpu.dma_semaphore, #tpu.memory_space<semaphore_mem>>) src(%dma_wait3A_177 : memref<8x128xf32, #tpu.memory_space<vmem_shared>>) dst(%dma_wait3A_171 : memref<128x128xf32, #tpu.memory_space<vmem>>)
    %add3A_178 = arith.constant 1 : i32
    %add3A_179 = arith.addi %mul3A_2, %add3A_178 : i32
    %mul3A_180 = arith.constant 128 : i32
    %mul3A_181 = arith.muli %add3A_179, %mul3A_180 : i32
    %dma_start3A_182 = arith.constant 1 : i32
    %dma_start3A_183 = arith.constant 0 : i32
    %dma_start3A_184 = arith.constant 0 : i32
    %dma_start3A_185 = tpu.memref_slice %arg11[%dma_start3A_182, %dma_start3A_183, %dma_start3A_184] : memref<3x128x128xf32, #tpu.memory_space<vmem>> -> memref<1x128x128xf32, #tpu.memory_space<vmem>>
    %dma_start3A_186 = tpu.memref_squeeze %dma_start3A_185 : memref<1x128x128xf32, #tpu.memory_space<vmem>> -> memref<128x128xf32, #tpu.memory_space<vmem>>
    %dma_start3A_187 = arith.constant 0 : i32
    %dma_start3A_188 = tpu.memref_slice %arg6[%mul3A_181, %dma_start3A_187] : memref<16384x256xf32, #tpu.memory_space<hbm>> -> memref<128x128xf32, #tpu.memory_space<hbm>>
    %dma_start3A_189 = arith.constant 0 : i32
    %dma_start3A_190 = tpu.memref_slice %arg6[%mul3A_181, %dma_start3A_189] : memref<16384x256xf32, #tpu.memory_space<hbm>> -> memref<128x128xf32, #tpu.memory_space<hbm>>
    %dma_start3A_191 = arith.constant 0 : i32
    %dma_start3A_192 = arith.constant 0 : i32
    %dma_start3A_193 = tpu.memref_slice %arg11[%dma_start3A_182, %dma_start3A_191, %dma_start3A_192] : memref<3x128x128xf32, #tpu.memory_space<vmem>> -> memref<1x128x128xf32, #tpu.memory_space<vmem>>
    %dma_start3A_194 = tpu.memref_squeeze %dma_start3A_193 : memref<1x128x128xf32, #tpu.memory_space<vmem>> -> memref<128x128xf32, #tpu.memory_space<vmem>>
    tpu.enqueue_dma source(%dma_start3A_194 : memref<128x128xf32, #tpu.memory_space<vmem>>) target(%dma_start3A_190 : memref<128x128xf32, #tpu.memory_space<hbm>>) target_semaphore(%arg21 : memref<!tpu.dma_semaphore, #tpu.memory_space<semaphore_mem>>)
    %dma_wait3A_195 = arith.constant 1 : i32
    %dma_wait3A_196 = arith.constant 1 : i32
    %dma_wait3A_197 = arith.constant 0 : i32
    %dma_wait3A_198 = arith.constant 0 : i32
    %dma_wait3A_199 = tpu.memref_slice %arg12[%dma_wait3A_196, %dma_wait3A_197, %dma_wait3A_198] : memref<4x128x128xf32, #tpu.memory_space<vmem>> -> memref<1x128x128xf32, #tpu.memory_space<vmem>>
    %dma_wait3A_200 = tpu.memref_squeeze %dma_wait3A_199 : memref<1x128x128xf32, #tpu.memory_space<vmem>> -> memref<128x128xf32, #tpu.memory_space<vmem>>
    %dma_wait3A_201 = arith.constant 0 : i32
    %dma_wait3A_202 = tpu.memref_slice %arg8[%dma_wait3A_195, %dma_wait3A_201] : memref<4x128xi32, #tpu.memory_space<vmem>> -> memref<1x128xi32, #tpu.memory_space<vmem>>
    %dma_wait3A_203 = tpu.memref_squeeze %dma_wait3A_202 : memref<1x128xi32, #tpu.memory_space<vmem>> -> memref<128xi32, #tpu.memory_space<vmem>>
    %dma_wait3A_204 = arith.constant 0 : i32
    %dma_wait3A_205 = arith.constant 0 : i32
    %dma_wait3A_206 = tpu.memref_slice %arg5[%dma_wait3A_204, %dma_wait3A_205] : memref<100000x128xf32, #tpu.memory_space<hbm>> -> memref<100000x128xf32, #tpu.memory_space<hbm>>
    tpu.wait_indirect_dma semaphore(%arg14 : memref<!tpu.dma_semaphore, #tpu.memory_space<semaphore_mem>>) src(%dma_wait3A_206 : memref<100000x128xf32, #tpu.memory_space<hbm>>) dst(%dma_wait3A_200 : memref<128x128xf32, #tpu.memory_space<vmem>>)
    %dma_start3A_207 = arith.constant 1 : i32
    %dma_start3A_208 = arith.constant 0 : i32
    %dma_start3A_209 = arith.constant 0 : i32
    %dma_start3A_210 = tpu.memref_slice %arg12[%dma_start3A_207, %dma_start3A_208, %dma_start3A_209] : memref<4x128x128xf32, #tpu.memory_space<vmem>> -> memref<1x128x128xf32, #tpu.memory_space<vmem>>
    %dma_start3A_211 = tpu.memref_squeeze %dma_start3A_210 : memref<1x128x128xf32, #tpu.memory_space<vmem>> -> memref<128x128xf32, #tpu.memory_space<vmem>>
    %dma_start3A_212 = arith.constant 128 : i32
    %dma_start3A_213 = tpu.memref_slice %arg6[%mul3A_181, %dma_start3A_212] : memref<16384x256xf32, #tpu.memory_space<hbm>> -> memref<128x128xf32, #tpu.memory_space<hbm>>
    %dma_start3A_214 = arith.constant 128 : i32
    %dma_start3A_215 = tpu.memref_slice %arg6[%mul3A_181, %dma_start3A_214] : memref<16384x256xf32, #tpu.memory_space<hbm>> -> memref<128x128xf32, #tpu.memory_space<hbm>>
    %dma_start3A_216 = arith.constant 0 : i32
    %dma_start3A_217 = arith.constant 0 : i32
    %dma_start3A_218 = tpu.memref_slice %arg12[%dma_start3A_207, %dma_start3A_216, %dma_start3A_217] : memref<4x128x128xf32, #tpu.memory_space<vmem>> -> memref<1x128x128xf32, #tpu.memory_space<vmem>>
    %dma_start3A_219 = tpu.memref_squeeze %dma_start3A_218 : memref<1x128x128xf32, #tpu.memory_space<vmem>> -> memref<128x128xf32, #tpu.memory_space<vmem>>
    tpu.enqueue_dma source(%dma_start3A_219 : memref<128x128xf32, #tpu.memory_space<vmem>>) target(%dma_start3A_215 : memref<128x128xf32, #tpu.memory_space<hbm>>) target_semaphore(%arg23 : memref<!tpu.dma_semaphore, #tpu.memory_space<semaphore_mem>>)
    %dma_wait3A_220 = arith.constant 2 : i32
    %dma_wait3A_221 = arith.constant 2 : i32
    %dma_wait3A_222 = arith.constant 0 : i32
    %dma_wait3A_223 = arith.constant 0 : i32
    %dma_wait3A_224 = tpu.memref_slice %arg11[%dma_wait3A_221, %dma_wait3A_222, %dma_wait3A_223] : memref<3x128x128xf32, #tpu.memory_space<vmem>> -> memref<1x128x128xf32, #tpu.memory_space<vmem>>
    %dma_wait3A_225 = tpu.memref_squeeze %dma_wait3A_224 : memref<1x128x128xf32, #tpu.memory_space<vmem>> -> memref<128x128xf32, #tpu.memory_space<vmem>>
    %dma_wait3A_226 = arith.constant 0 : i32
    %dma_wait3A_227 = tpu.memref_slice %arg7[%dma_wait3A_220, %dma_wait3A_226] : memref<4x128xi32, #tpu.memory_space<vmem>> -> memref<1x128xi32, #tpu.memory_space<vmem>>
    %dma_wait3A_228 = tpu.memref_squeeze %dma_wait3A_227 : memref<1x128xi32, #tpu.memory_space<vmem>> -> memref<128xi32, #tpu.memory_space<vmem>>
    %dma_wait3A_229 = arith.constant 0 : i32
    %dma_wait3A_230 = arith.constant 0 : i32
    %dma_wait3A_231 = tpu.memref_slice %arg10[%dma_wait3A_229, %dma_wait3A_230] : memref<8x128xf32, #tpu.memory_space<vmem_shared>> -> memref<8x128xf32, #tpu.memory_space<vmem_shared>>
    tpu.wait_indirect_dma semaphore(%arg19 : memref<!tpu.dma_semaphore, #tpu.memory_space<semaphore_mem>>) src(%dma_wait3A_231 : memref<8x128xf32, #tpu.memory_space<vmem_shared>>) dst(%dma_wait3A_225 : memref<128x128xf32, #tpu.memory_space<vmem>>)
    %add3A_232 = arith.constant 2 : i32
    %add3A_233 = arith.addi %mul3A_2, %add3A_232 : i32
    %mul3A_234 = arith.constant 128 : i32
    %mul3A_235 = arith.muli %add3A_233, %mul3A_234 : i32
    %dma_start3A_236 = arith.constant 2 : i32
    %dma_start3A_237 = arith.constant 0 : i32
    %dma_start3A_238 = arith.constant 0 : i32
    %dma_start3A_239 = tpu.memref_slice %arg11[%dma_start3A_236, %dma_start3A_237, %dma_start3A_238] : memref<3x128x128xf32, #tpu.memory_space<vmem>> -> memref<1x128x128xf32, #tpu.memory_space<vmem>>
    %dma_start3A_240 = tpu.memref_squeeze %dma_start3A_239 : memref<1x128x128xf32, #tpu.memory_space<vmem>> -> memref<128x128xf32, #tpu.memory_space<vmem>>
    %dma_start3A_241 = arith.constant 0 : i32
    %dma_start3A_242 = tpu.memref_slice %arg6[%mul3A_235, %dma_start3A_241] : memref<16384x256xf32, #tpu.memory_space<hbm>> -> memref<128x128xf32, #tpu.memory_space<hbm>>
    %dma_start3A_243 = arith.constant 0 : i32
    %dma_start3A_244 = tpu.memref_slice %arg6[%mul3A_235, %dma_start3A_243] : memref<16384x256xf32, #tpu.memory_space<hbm>> -> memref<128x128xf32, #tpu.memory_space<hbm>>
    %dma_start3A_245 = arith.constant 0 : i32
    %dma_start3A_246 = arith.constant 0 : i32
    %dma_start3A_247 = tpu.memref_slice %arg11[%dma_start3A_236, %dma_start3A_245, %dma_start3A_246] : memref<3x128x128xf32, #tpu.memory_space<vmem>> -> memref<1x128x128xf32, #tpu.memory_space<vmem>>
    %dma_start3A_248 = tpu.memref_squeeze %dma_start3A_247 : memref<1x128x128xf32, #tpu.memory_space<vmem>> -> memref<128x128xf32, #tpu.memory_space<vmem>>
    tpu.enqueue_dma source(%dma_start3A_248 : memref<128x128xf32, #tpu.memory_space<vmem>>) target(%dma_start3A_244 : memref<128x128xf32, #tpu.memory_space<hbm>>) target_semaphore(%arg22 : memref<!tpu.dma_semaphore, #tpu.memory_space<semaphore_mem>>)
    %dma_wait3A_249 = arith.constant 2 : i32
    %dma_wait3A_250 = arith.constant 2 : i32
    %dma_wait3A_251 = arith.constant 0 : i32
    %dma_wait3A_252 = arith.constant 0 : i32
    %dma_wait3A_253 = tpu.memref_slice %arg12[%dma_wait3A_250, %dma_wait3A_251, %dma_wait3A_252] : memref<4x128x128xf32, #tpu.memory_space<vmem>> -> memref<1x128x128xf32, #tpu.memory_space<vmem>>
    %dma_wait3A_254 = tpu.memref_squeeze %dma_wait3A_253 : memref<1x128x128xf32, #tpu.memory_space<vmem>> -> memref<128x128xf32, #tpu.memory_space<vmem>>
    %dma_wait3A_255 = arith.constant 0 : i32
    %dma_wait3A_256 = tpu.memref_slice %arg8[%dma_wait3A_249, %dma_wait3A_255] : memref<4x128xi32, #tpu.memory_space<vmem>> -> memref<1x128xi32, #tpu.memory_space<vmem>>
    %dma_wait3A_257 = tpu.memref_squeeze %dma_wait3A_256 : memref<1x128xi32, #tpu.memory_space<vmem>> -> memref<128xi32, #tpu.memory_space<vmem>>
    %dma_wait3A_258 = arith.constant 0 : i32
    %dma_wait3A_259 = arith.constant 0 : i32
    %dma_wait3A_260 = tpu.memref_slice %arg5[%dma_wait3A_258, %dma_wait3A_259] : memref<100000x128xf32, #tpu.memory_space<hbm>> -> memref<100000x128xf32, #tpu.memory_space<hbm>>
    tpu.wait_indirect_dma semaphore(%arg15 : memref<!tpu.dma_semaphore, #tpu.memory_space<semaphore_mem>>) src(%dma_wait3A_260 : memref<100000x128xf32, #tpu.memory_space<hbm>>) dst(%dma_wait3A_254 : memref<128x128xf32, #tpu.memory_space<vmem>>)
    %dma_start3A_261 = arith.constant 2 : i32
    %dma_start3A_262 = arith.constant 0 : i32
    %dma_start3A_263 = arith.constant 0 : i32
    %dma_start3A_264 = tpu.memref_slice %arg12[%dma_start3A_261, %dma_start3A_262, %dma_start3A_263] : memref<4x128x128xf32, #tpu.memory_space<vmem>> -> memref<1x128x128xf32, #tpu.memory_space<vmem>>
    %dma_start3A_265 = tpu.memref_squeeze %dma_start3A_264 : memref<1x128x128xf32, #tpu.memory_space<vmem>> -> memref<128x128xf32, #tpu.memory_space<vmem>>
    %dma_start3A_266 = arith.constant 128 : i32
    %dma_start3A_267 = tpu.memref_slice %arg6[%mul3A_235, %dma_start3A_266] : memref<16384x256xf32, #tpu.memory_space<hbm>> -> memref<128x128xf32, #tpu.memory_space<hbm>>
    %dma_start3A_268 = arith.constant 128 : i32
    %dma_start3A_269 = tpu.memref_slice %arg6[%mul3A_235, %dma_start3A_268] : memref<16384x256xf32, #tpu.memory_space<hbm>> -> memref<128x128xf32, #tpu.memory_space<hbm>>
    %dma_start3A_270 = arith.constant 0 : i32
    %dma_start3A_271 = arith.constant 0 : i32
    %dma_start3A_272 = tpu.memref_slice %arg12[%dma_start3A_261, %dma_start3A_270, %dma_start3A_271] : memref<4x128x128xf32, #tpu.memory_space<vmem>> -> memref<1x128x128xf32, #tpu.memory_space<vmem>>
    %dma_start3A_273 = tpu.memref_squeeze %dma_start3A_272 : memref<1x128x128xf32, #tpu.memory_space<vmem>> -> memref<128x128xf32, #tpu.memory_space<vmem>>
    tpu.enqueue_dma source(%dma_start3A_273 : memref<128x128xf32, #tpu.memory_space<vmem>>) target(%dma_start3A_269 : memref<128x128xf32, #tpu.memory_space<hbm>>) target_semaphore(%arg23 : memref<!tpu.dma_semaphore, #tpu.memory_space<semaphore_mem>>)
    %dma_wait3A_274 = arith.constant 3 : i32
    %dma_wait3A_275 = arith.constant 0 : i32
    %dma_wait3A_276 = arith.constant 0 : i32
    %dma_wait3A_277 = arith.constant 0 : i32
    %dma_wait3A_278 = tpu.memref_slice %arg11[%dma_wait3A_275, %dma_wait3A_276, %dma_wait3A_277] : memref<3x128x128xf32, #tpu.memory_space<vmem>> -> memref<1x128x128xf32, #tpu.memory_space<vmem>>
    %dma_wait3A_279 = tpu.memref_squeeze %dma_wait3A_278 : memref<1x128x128xf32, #tpu.memory_space<vmem>> -> memref<128x128xf32, #tpu.memory_space<vmem>>
    %dma_wait3A_280 = arith.constant 0 : i32
    %dma_wait3A_281 = tpu.memref_slice %arg7[%dma_wait3A_274, %dma_wait3A_280] : memref<4x128xi32, #tpu.memory_space<vmem>> -> memref<1x128xi32, #tpu.memory_space<vmem>>
    %dma_wait3A_282 = tpu.memref_squeeze %dma_wait3A_281 : memref<1x128xi32, #tpu.memory_space<vmem>> -> memref<128xi32, #tpu.memory_space<vmem>>
    %dma_wait3A_283 = arith.constant 0 : i32
    %dma_wait3A_284 = arith.constant 0 : i32
    %dma_wait3A_285 = tpu.memref_slice %arg10[%dma_wait3A_283, %dma_wait3A_284] : memref<8x128xf32, #tpu.memory_space<vmem_shared>> -> memref<8x128xf32, #tpu.memory_space<vmem_shared>>
    tpu.wait_indirect_dma semaphore(%arg17 : memref<!tpu.dma_semaphore, #tpu.memory_space<semaphore_mem>>) src(%dma_wait3A_285 : memref<8x128xf32, #tpu.memory_space<vmem_shared>>) dst(%dma_wait3A_279 : memref<128x128xf32, #tpu.memory_space<vmem>>)
    %add3A_286 = arith.constant 3 : i32
    %add3A_287 = arith.addi %mul3A_2, %add3A_286 : i32
    %mul3A_288 = arith.constant 128 : i32
    %mul3A_289 = arith.muli %add3A_287, %mul3A_288 : i32
    %dma_start3A_290 = arith.constant 0 : i32
    %dma_start3A_291 = arith.constant 0 : i32
    %dma_start3A_292 = arith.constant 0 : i32
    %dma_start3A_293 = tpu.memref_slice %arg11[%dma_start3A_290, %dma_start3A_291, %dma_start3A_292] : memref<3x128x128xf32, #tpu.memory_space<vmem>> -> memref<1x128x128xf32, #tpu.memory_space<vmem>>
    %dma_start3A_294 = tpu.memref_squeeze %dma_start3A_293 : memref<1x128x128xf32, #tpu.memory_space<vmem>> -> memref<128x128xf32, #tpu.memory_space<vmem>>
    %dma_start3A_295 = arith.constant 0 : i32
    %dma_start3A_296 = tpu.memref_slice %arg6[%mul3A_289, %dma_start3A_295] : memref<16384x256xf32, #tpu.memory_space<hbm>> -> memref<128x128xf32, #tpu.memory_space<hbm>>
    %dma_start3A_297 = arith.constant 0 : i32
    %dma_start3A_298 = tpu.memref_slice %arg6[%mul3A_289, %dma_start3A_297] : memref<16384x256xf32, #tpu.memory_space<hbm>> -> memref<128x128xf32, #tpu.memory_space<hbm>>
    %dma_start3A_299 = arith.constant 0 : i32
    %dma_start3A_300 = arith.constant 0 : i32
    %dma_start3A_301 = tpu.memref_slice %arg11[%dma_start3A_290, %dma_start3A_299, %dma_start3A_300] : memref<3x128x128xf32, #tpu.memory_space<vmem>> -> memref<1x128x128xf32, #tpu.memory_space<vmem>>
    %dma_start3A_302 = tpu.memref_squeeze %dma_start3A_301 : memref<1x128x128xf32, #tpu.memory_space<vmem>> -> memref<128x128xf32, #tpu.memory_space<vmem>>
    tpu.enqueue_dma source(%dma_start3A_302 : memref<128x128xf32, #tpu.memory_space<vmem>>) target(%dma_start3A_298 : memref<128x128xf32, #tpu.memory_space<hbm>>) target_semaphore(%arg20 : memref<!tpu.dma_semaphore, #tpu.memory_space<semaphore_mem>>)
    %dma_wait3A_303 = arith.constant 3 : i32
    %dma_wait3A_304 = arith.constant 3 : i32
    %dma_wait3A_305 = arith.constant 0 : i32
    %dma_wait3A_306 = arith.constant 0 : i32
    %dma_wait3A_307 = tpu.memref_slice %arg12[%dma_wait3A_304, %dma_wait3A_305, %dma_wait3A_306] : memref<4x128x128xf32, #tpu.memory_space<vmem>> -> memref<1x128x128xf32, #tpu.memory_space<vmem>>
    %dma_wait3A_308 = tpu.memref_squeeze %dma_wait3A_307 : memref<1x128x128xf32, #tpu.memory_space<vmem>> -> memref<128x128xf32, #tpu.memory_space<vmem>>
    %dma_wait3A_309 = arith.constant 0 : i32
    %dma_wait3A_310 = tpu.memref_slice %arg8[%dma_wait3A_303, %dma_wait3A_309] : memref<4x128xi32, #tpu.memory_space<vmem>> -> memref<1x128xi32, #tpu.memory_space<vmem>>
    %dma_wait3A_311 = tpu.memref_squeeze %dma_wait3A_310 : memref<1x128xi32, #tpu.memory_space<vmem>> -> memref<128xi32, #tpu.memory_space<vmem>>
    %dma_wait3A_312 = arith.constant 0 : i32
    %dma_wait3A_313 = arith.constant 0 : i32
    %dma_wait3A_314 = tpu.memref_slice %arg5[%dma_wait3A_312, %dma_wait3A_313] : memref<100000x128xf32, #tpu.memory_space<hbm>> -> memref<100000x128xf32, #tpu.memory_space<hbm>>
    tpu.wait_indirect_dma semaphore(%arg16 : memref<!tpu.dma_semaphore, #tpu.memory_space<semaphore_mem>>) src(%dma_wait3A_314 : memref<100000x128xf32, #tpu.memory_space<hbm>>) dst(%dma_wait3A_308 : memref<128x128xf32, #tpu.memory_space<vmem>>)
    %dma_start3A_315 = arith.constant 3 : i32
    %dma_start3A_316 = arith.constant 0 : i32
    %dma_start3A_317 = arith.constant 0 : i32
    %dma_start3A_318 = tpu.memref_slice %arg12[%dma_start3A_315, %dma_start3A_316, %dma_start3A_317] : memref<4x128x128xf32, #tpu.memory_space<vmem>> -> memref<1x128x128xf32, #tpu.memory_space<vmem>>
    %dma_start3A_319 = tpu.memref_squeeze %dma_start3A_318 : memref<1x128x128xf32, #tpu.memory_space<vmem>> -> memref<128x128xf32, #tpu.memory_space<vmem>>
    %dma_start3A_320 = arith.constant 128 : i32
    %dma_start3A_321 = tpu.memref_slice %arg6[%mul3A_289, %dma_start3A_320] : memref<16384x256xf32, #tpu.memory_space<hbm>> -> memref<128x128xf32, #tpu.memory_space<hbm>>
    %dma_start3A_322 = arith.constant 128 : i32
    %dma_start3A_323 = tpu.memref_slice %arg6[%mul3A_289, %dma_start3A_322] : memref<16384x256xf32, #tpu.memory_space<hbm>> -> memref<128x128xf32, #tpu.memory_space<hbm>>
    %dma_start3A_324 = arith.constant 0 : i32
    %dma_start3A_325 = arith.constant 0 : i32
    %dma_start3A_326 = tpu.memref_slice %arg12[%dma_start3A_315, %dma_start3A_324, %dma_start3A_325] : memref<4x128x128xf32, #tpu.memory_space<vmem>> -> memref<1x128x128xf32, #tpu.memory_space<vmem>>
    %dma_start3A_327 = tpu.memref_squeeze %dma_start3A_326 : memref<1x128x128xf32, #tpu.memory_space<vmem>> -> memref<128x128xf32, #tpu.memory_space<vmem>>
    tpu.enqueue_dma source(%dma_start3A_327 : memref<128x128xf32, #tpu.memory_space<vmem>>) target(%dma_start3A_323 : memref<128x128xf32, #tpu.memory_space<hbm>>) target_semaphore(%arg23 : memref<!tpu.dma_semaphore, #tpu.memory_space<semaphore_mem>>)
    %dma_wait3A_328 = arith.constant 1 : i32
    %dma_wait3A_329 = arith.constant 0 : i32
    %dma_wait3A_330 = arith.constant 0 : i32
    %dma_wait3A_331 = tpu.memref_slice %arg11[%dma_wait3A_328, %dma_wait3A_329, %dma_wait3A_330] : memref<3x128x128xf32, #tpu.memory_space<vmem>> -> memref<1x128x128xf32, #tpu.memory_space<vmem>>
    %dma_wait3A_332 = tpu.memref_squeeze %dma_wait3A_331 : memref<1x128x128xf32, #tpu.memory_space<vmem>> -> memref<128x128xf32, #tpu.memory_space<vmem>>
    %dma_wait3A_333 = arith.constant 0 : i32
    %dma_wait3A_334 = tpu.memref_slice %arg6[%mul3A_181, %dma_wait3A_333] : memref<16384x256xf32, #tpu.memory_space<hbm>> -> memref<128x128xf32, #tpu.memory_space<hbm>>
    %dma_wait3A_335 = arith.constant 0 : i32
    %dma_wait3A_336 = tpu.memref_slice %arg6[%mul3A_181, %dma_wait3A_335] : memref<16384x256xf32, #tpu.memory_space<hbm>> -> memref<128x128xf32, #tpu.memory_space<hbm>>
    %dma_wait3A_337 = arith.constant 0 : i32
    %dma_wait3A_338 = arith.constant 0 : i32
    %dma_wait3A_339 = tpu.memref_slice %arg11[%dma_wait3A_328, %dma_wait3A_337, %dma_wait3A_338] : memref<3x128x128xf32, #tpu.memory_space<vmem>> -> memref<1x128x128xf32, #tpu.memory_space<vmem>>
    %dma_wait3A_340 = tpu.memref_squeeze %dma_wait3A_339 : memref<1x128x128xf32, #tpu.memory_space<vmem>> -> memref<128x128xf32, #tpu.memory_space<vmem>>
    tpu.wait_dma2 semaphore(%arg21 : memref<!tpu.dma_semaphore, #tpu.memory_space<semaphore_mem>>) src(%dma_wait3A_340 : memref<128x128xf32, #tpu.memory_space<vmem>>) dst(%dma_wait3A_336 : memref<128x128xf32, #tpu.memory_space<hbm>>)
    %dma_wait3A_341 = arith.constant 2 : i32
    %dma_wait3A_342 = arith.constant 0 : i32
    %dma_wait3A_343 = arith.constant 0 : i32
    %dma_wait3A_344 = tpu.memref_slice %arg11[%dma_wait3A_341, %dma_wait3A_342, %dma_wait3A_343] : memref<3x128x128xf32, #tpu.memory_space<vmem>> -> memref<1x128x128xf32, #tpu.memory_space<vmem>>
    %dma_wait3A_345 = tpu.memref_squeeze %dma_wait3A_344 : memref<1x128x128xf32, #tpu.memory_space<vmem>> -> memref<128x128xf32, #tpu.memory_space<vmem>>
    %dma_wait3A_346 = arith.constant 0 : i32
    %dma_wait3A_347 = tpu.memref_slice %arg6[%mul3A_235, %dma_wait3A_346] : memref<16384x256xf32, #tpu.memory_space<hbm>> -> memref<128x128xf32, #tpu.memory_space<hbm>>
    %dma_wait3A_348 = arith.constant 0 : i32
    %dma_wait3A_349 = tpu.memref_slice %arg6[%mul3A_235, %dma_wait3A_348] : memref<16384x256xf32, #tpu.memory_space<hbm>> -> memref<128x128xf32, #tpu.memory_space<hbm>>
    %dma_wait3A_350 = arith.constant 0 : i32
    %dma_wait3A_351 = arith.constant 0 : i32
    %dma_wait3A_352 = tpu.memref_slice %arg11[%dma_wait3A_341, %dma_wait3A_350, %dma_wait3A_351] : memref<3x128x128xf32, #tpu.memory_space<vmem>> -> memref<1x128x128xf32, #tpu.memory_space<vmem>>
    %dma_wait3A_353 = tpu.memref_squeeze %dma_wait3A_352 : memref<1x128x128xf32, #tpu.memory_space<vmem>> -> memref<128x128xf32, #tpu.memory_space<vmem>>
    tpu.wait_dma2 semaphore(%arg22 : memref<!tpu.dma_semaphore, #tpu.memory_space<semaphore_mem>>) src(%dma_wait3A_353 : memref<128x128xf32, #tpu.memory_space<vmem>>) dst(%dma_wait3A_349 : memref<128x128xf32, #tpu.memory_space<hbm>>)
    %dma_wait3A_354 = arith.constant 0 : i32
    %dma_wait3A_355 = arith.constant 0 : i32
    %dma_wait3A_356 = arith.constant 0 : i32
    %dma_wait3A_357 = tpu.memref_slice %arg11[%dma_wait3A_354, %dma_wait3A_355, %dma_wait3A_356] : memref<3x128x128xf32, #tpu.memory_space<vmem>> -> memref<1x128x128xf32, #tpu.memory_space<vmem>>
    %dma_wait3A_358 = tpu.memref_squeeze %dma_wait3A_357 : memref<1x128x128xf32, #tpu.memory_space<vmem>> -> memref<128x128xf32, #tpu.memory_space<vmem>>
    %dma_wait3A_359 = arith.constant 0 : i32
    %dma_wait3A_360 = tpu.memref_slice %arg6[%mul3A_289, %dma_wait3A_359] : memref<16384x256xf32, #tpu.memory_space<hbm>> -> memref<128x128xf32, #tpu.memory_space<hbm>>
    %dma_wait3A_361 = arith.constant 0 : i32
    %dma_wait3A_362 = tpu.memref_slice %arg6[%mul3A_289, %dma_wait3A_361] : memref<16384x256xf32, #tpu.memory_space<hbm>> -> memref<128x128xf32, #tpu.memory_space<hbm>>
    %dma_wait3A_363 = arith.constant 0 : i32
    %dma_wait3A_364 = arith.constant 0 : i32
    %dma_wait3A_365 = tpu.memref_slice %arg11[%dma_wait3A_354, %dma_wait3A_363, %dma_wait3A_364] : memref<3x128x128xf32, #tpu.memory_space<vmem>> -> memref<1x128x128xf32, #tpu.memory_space<vmem>>
    %dma_wait3A_366 = tpu.memref_squeeze %dma_wait3A_365 : memref<1x128x128xf32, #tpu.memory_space<vmem>> -> memref<128x128xf32, #tpu.memory_space<vmem>>
    tpu.wait_dma2 semaphore(%arg20 : memref<!tpu.dma_semaphore, #tpu.memory_space<semaphore_mem>>) src(%dma_wait3A_366 : memref<128x128xf32, #tpu.memory_space<vmem>>) dst(%dma_wait3A_362 : memref<128x128xf32, #tpu.memory_space<hbm>>)
    %dma_wait3A_367 = arith.constant 0 : i32
    %dma_wait3A_368 = arith.constant 0 : i32
    %dma_wait3A_369 = arith.constant 0 : i32
    %dma_wait3A_370 = tpu.memref_slice %arg12[%dma_wait3A_367, %dma_wait3A_368, %dma_wait3A_369] : memref<4x128x128xf32, #tpu.memory_space<vmem>> -> memref<1x128x128xf32, #tpu.memory_space<vmem>>
    %dma_wait3A_371 = tpu.memref_squeeze %dma_wait3A_370 : memref<1x128x128xf32, #tpu.memory_space<vmem>> -> memref<128x128xf32, #tpu.memory_space<vmem>>
    %dma_wait3A_372 = arith.constant 128 : i32
    %dma_wait3A_373 = tpu.memref_slice %arg6[%mul3A_102, %dma_wait3A_372] : memref<16384x256xf32, #tpu.memory_space<hbm>> -> memref<128x128xf32, #tpu.memory_space<hbm>>
    %dma_wait3A_374 = arith.constant 128 : i32
    %dma_wait3A_375 = tpu.memref_slice %arg6[%mul3A_102, %dma_wait3A_374] : memref<16384x256xf32, #tpu.memory_space<hbm>> -> memref<128x128xf32, #tpu.memory_space<hbm>>
    %dma_wait3A_376 = arith.constant 0 : i32
    %dma_wait3A_377 = arith.constant 0 : i32
    %dma_wait3A_378 = tpu.memref_slice %arg12[%dma_wait3A_367, %dma_wait3A_376, %dma_wait3A_377] : memref<4x128x128xf32, #tpu.memory_space<vmem>> -> memref<1x128x128xf32, #tpu.memory_space<vmem>>
    %dma_wait3A_379 = tpu.memref_squeeze %dma_wait3A_378 : memref<1x128x128xf32, #tpu.memory_space<vmem>> -> memref<128x128xf32, #tpu.memory_space<vmem>>
    tpu.wait_dma2 semaphore(%arg23 : memref<!tpu.dma_semaphore, #tpu.memory_space<semaphore_mem>>) src(%dma_wait3A_379 : memref<128x128xf32, #tpu.memory_space<vmem>>) dst(%dma_wait3A_375 : memref<128x128xf32, #tpu.memory_space<hbm>>)
    %dma_wait3A_380 = arith.constant 1 : i32
    %dma_wait3A_381 = arith.constant 0 : i32
    %dma_wait3A_382 = arith.constant 0 : i32
    %dma_wait3A_383 = tpu.memref_slice %arg12[%dma_wait3A_380, %dma_wait3A_381, %dma_wait3A_382] : memref<4x128x128xf32, #tpu.memory_space<vmem>> -> memref<1x128x128xf32, #tpu.memory_space<vmem>>
    %dma_wait3A_384 = tpu.memref_squeeze %dma_wait3A_383 : memref<1x128x128xf32, #tpu.memory_space<vmem>> -> memref<128x128xf32, #tpu.memory_space<vmem>>
    %dma_wait3A_385 = arith.constant 128 : i32
    %dma_wait3A_386 = tpu.memref_slice %arg6[%mul3A_181, %dma_wait3A_385] : memref<16384x256xf32, #tpu.memory_space<hbm>> -> memref<128x128xf32, #tpu.memory_space<hbm>>
    %dma_wait3A_387 = arith.constant 128 : i32
    %dma_wait3A_388 = tpu.memref_slice %arg6[%mul3A_181, %dma_wait3A_387] : memref<16384x256xf32, #tpu.memory_space<hbm>> -> memref<128x128xf32, #tpu.memory_space<hbm>>
    %dma_wait3A_389 = arith.constant 0 : i32
    %dma_wait3A_390 = arith.constant 0 : i32
    %dma_wait3A_391 = tpu.memref_slice %arg12[%dma_wait3A_380, %dma_wait3A_389, %dma_wait3A_390] : memref<4x128x128xf32, #tpu.memory_space<vmem>> -> memref<1x128x128xf32, #tpu.memory_space<vmem>>
    %dma_wait3A_392 = tpu.memref_squeeze %dma_wait3A_391 : memref<1x128x128xf32, #tpu.memory_space<vmem>> -> memref<128x128xf32, #tpu.memory_space<vmem>>
    tpu.wait_dma2 semaphore(%arg23 : memref<!tpu.dma_semaphore, #tpu.memory_space<semaphore_mem>>) src(%dma_wait3A_392 : memref<128x128xf32, #tpu.memory_space<vmem>>) dst(%dma_wait3A_388 : memref<128x128xf32, #tpu.memory_space<hbm>>)
    %dma_wait3A_393 = arith.constant 2 : i32
    %dma_wait3A_394 = arith.constant 0 : i32
    %dma_wait3A_395 = arith.constant 0 : i32
    %dma_wait3A_396 = tpu.memref_slice %arg12[%dma_wait3A_393, %dma_wait3A_394, %dma_wait3A_395] : memref<4x128x128xf32, #tpu.memory_space<vmem>> -> memref<1x128x128xf32, #tpu.memory_space<vmem>>
    %dma_wait3A_397 = tpu.memref_squeeze %dma_wait3A_396 : memref<1x128x128xf32, #tpu.memory_space<vmem>> -> memref<128x128xf32, #tpu.memory_space<vmem>>
    %dma_wait3A_398 = arith.constant 128 : i32
    %dma_wait3A_399 = tpu.memref_slice %arg6[%mul3A_235, %dma_wait3A_398] : memref<16384x256xf32, #tpu.memory_space<hbm>> -> memref<128x128xf32, #tpu.memory_space<hbm>>
    %dma_wait3A_400 = arith.constant 128 : i32
    %dma_wait3A_401 = tpu.memref_slice %arg6[%mul3A_235, %dma_wait3A_400] : memref<16384x256xf32, #tpu.memory_space<hbm>> -> memref<128x128xf32, #tpu.memory_space<hbm>>
    %dma_wait3A_402 = arith.constant 0 : i32
    %dma_wait3A_403 = arith.constant 0 : i32
    %dma_wait3A_404 = tpu.memref_slice %arg12[%dma_wait3A_393, %dma_wait3A_402, %dma_wait3A_403] : memref<4x128x128xf32, #tpu.memory_space<vmem>> -> memref<1x128x128xf32, #tpu.memory_space<vmem>>
    %dma_wait3A_405 = tpu.memref_squeeze %dma_wait3A_404 : memref<1x128x128xf32, #tpu.memory_space<vmem>> -> memref<128x128xf32, #tpu.memory_space<vmem>>
    tpu.wait_dma2 semaphore(%arg23 : memref<!tpu.dma_semaphore, #tpu.memory_space<semaphore_mem>>) src(%dma_wait3A_405 : memref<128x128xf32, #tpu.memory_space<vmem>>) dst(%dma_wait3A_401 : memref<128x128xf32, #tpu.memory_space<hbm>>)
    %dma_wait3A_406 = arith.constant 3 : i32
    %dma_wait3A_407 = arith.constant 0 : i32
    %dma_wait3A_408 = arith.constant 0 : i32
    %dma_wait3A_409 = tpu.memref_slice %arg12[%dma_wait3A_406, %dma_wait3A_407, %dma_wait3A_408] : memref<4x128x128xf32, #tpu.memory_space<vmem>> -> memref<1x128x128xf32, #tpu.memory_space<vmem>>
    %dma_wait3A_410 = tpu.memref_squeeze %dma_wait3A_409 : memref<1x128x128xf32, #tpu.memory_space<vmem>> -> memref<128x128xf32, #tpu.memory_space<vmem>>
    %dma_wait3A_411 = arith.constant 128 : i32
    %dma_wait3A_412 = tpu.memref_slice %arg6[%mul3A_289, %dma_wait3A_411] : memref<16384x256xf32, #tpu.memory_space<hbm>> -> memref<128x128xf32, #tpu.memory_space<hbm>>
    %dma_wait3A_413 = arith.constant 128 : i32
    %dma_wait3A_414 = tpu.memref_slice %arg6[%mul3A_289, %dma_wait3A_413] : memref<16384x256xf32, #tpu.memory_space<hbm>> -> memref<128x128xf32, #tpu.memory_space<hbm>>
    %dma_wait3A_415 = arith.constant 0 : i32
    %dma_wait3A_416 = arith.constant 0 : i32
    %dma_wait3A_417 = tpu.memref_slice %arg12[%dma_wait3A_406, %dma_wait3A_415, %dma_wait3A_416] : memref<4x128x128xf32, #tpu.memory_space<vmem>> -> memref<1x128x128xf32, #tpu.memory_space<vmem>>
    %dma_wait3A_418 = tpu.memref_squeeze %dma_wait3A_417 : memref<1x128x128xf32, #tpu.memory_space<vmem>> -> memref<128x128xf32, #tpu.memory_space<vmem>>
    tpu.wait_dma2 semaphore(%arg23 : memref<!tpu.dma_semaphore, #tpu.memory_space<semaphore_mem>>) src(%dma_wait3A_418 : memref<128x128xf32, #tpu.memory_space<vmem>>) dst(%dma_wait3A_414 : memref<128x128xf32, #tpu.memory_space<hbm>>)
    return
  }
}

</mosaic_0001>

<sc_bundles>
// kernel: kernel.3.cloned.1.call-start
scs
__scs_entry_jumppad:
0x0: {  	(pc) =	sbr.rel $0x88, $3  }
0x1: {  	(tag) =	ssettag $0x0;
	lr =	simm.s32 $0x1  }
0x2: {  	[smem:$0x3F9E] =	sst lr;
	_ =	strace $0xD0000000  }
0x3: {  	_ = 	snop  }
0x4: {  	_ = 	snop  }
0x5: {  	_ = 	snop  }
0x6: {  	_ = 	snop  }
0x7: {  	_ = 	snop  }
__scs_overlays_trampoline_lowered:
0x8: {  	[smem:$0x3FAD] =	sst s0  }
0x9: {  	[smem:$0x3FAE] =	sst s1  }
0xa: {  	[smem:$0x3FAF] =	sst s2  }
0xb: {  	[smem:$0x3FB0] =	sst s3  }
0xc: {  	[smem:$0x3FB1] =	sst s4  }
0xd: {  	[smem:$0x3FB2] =	sst s5  }
0xe: {  	[smem:$0x3FB3] =	sst s6  }
0xf: {  	[smem:$0x3FB4] =	sst s7  }
0x10: {  	[smem:$0x3FB5] =	sst s8  }
0x11: {  	[smem:$0x3FB6] =	sst s9;
	s0 =	simm.s32 @!p0 $0x0  }
0x12: {  	s1 =	sld [smem:$0x3F9C];
	s0 =	simm.s32 @p0 $0x1  }
0x13: {  	[smem:$0x3FB7] =	sst s0;
	s0 =	simm.s32 @!p1 $0x0  }
0x14: {  	s2 =	sld [smem:$0x3F9B];
	s0 =	simm.s32 @p1 $0x1  }
0x15: {  	[smem:$0x3FB8] =	sst s0;
	s0 =	simm.s32 @!p2 $0x0  }
0x16: {  	s3 =	sld [smem:$0x3FDB];
	s0 =	simm.s32 @p2 $0x1  }
0x17: {  	s4 =	simm.s32 $0x1BF5;
	[smem:$0x3FBA] =	sst s0  }
0x18: {  	s0 =	sld [smem:$0x3F9D];
	_ =	swait.ge [sflag:s4], $0x0  }
0x19: {  	s7 =	sld [smem:$0x3F9E]  }
0x1a: {  	s8 =	sadd.s32 $0xFFFFE003, lr  }
0x1b: {  	s9 =	sadd.s32 $0xFFFFFEF7, lr;
	s5 =	simm.s32 $0xFFFFFFFF;
	p2 =	slt.u32 s8, $0xFFFFF086  }
0x1c: {  	p1 =	slt.u32 s9, $0xF7A;
	s5 =	simm.s32 @!p2 $0x0  }
0x1d: {  	s5 =	simm.s32 @p1 $0x1;
	p0 =	seq.s32 s7, s2  }
0x1e: {  	s7 =	smul.u32 @!p0 $0xF7A, s2;
	p2 =	seq.s32 @!p0 s5, $0x0  }
0x1f: {  	s9 =	smul.u32 $0xF7A, s1;
	s8 =	simm.s32 @!p0 $0x1BF5;
	p2 =	por !p2, p0  }
0x20: {  	[sflag:s8] =	ssyncset.s32 @!p0 $0xFFFFF086;
	s6 =	sadd.s32 @!p0 s3, s7;
	s7 =	simm.s32 @!p0 $0x108  }
0x21: {  	s3 =	sadd.s32 s3, s9;
	s6 =	sadd.s32 @!p0 $0x88, s6;
	s7 =	simm.s32 @p2 $0x1082  }
0x22: {  	[simem:s7], [sflag:s8] =	dma.local @!p0 [hbm:s6], $0xF7A  }
0x23: {  	s9 =	sor.u32 $0xD0000000, s2;
	s6 =	simm.s32 $0x108;
	_ =	swait.ge @!p0 [sflag:s8], $0x0  }
0x24: {  	s3 =	sadd.s32 $0x88, s3;
	s6 =	simm.s32 @!p1 $0x1082;
	[sflag:s4] =	ssyncset.s32 $0xFFFFF086  }
0x25: {  	[simem:s6], [sflag:s4] =	dma.local [hbm:s3], $0xF7A  }
0x26: {  	[smem:$0x3F9E] =	sst s1;
	(tag) =	ssettag s2;
	_ =	strace s9  }
0x27: {  	s1 =	sld [smem:$0x3FAE]  }
0x28: {  	s2 =	sld [smem:$0x3FAF]  }
0x29: {  	s4 =	sld [smem:$0x3FB1]  }
0x2a: {  	p0 =	seq.s32 s5, $0x0;
	s5 =	sld [smem:$0x3FB2]  }
0x2b: {  	s6 =	sld [smem:$0x3FB3]  }
0x2c: {  	s7 =	sld [smem:$0x3FB4]  }
0x2d: {  	s3 =	simm.s32 $0x108;
	s8 =	sld [smem:$0x3FB5]  }
0x2e: {  	s3 =	simm.s32 @!p0 $0x1082;
	s9 =	sld [smem:$0x3FB6]  }
0x2f: {  	lr =	sadd.s32 s0, s3;
	s0 =	sld [smem:$0x3FAD]  }
0x30: {  	s3 =	sld [smem:$0x3FB0]  }
0x31: {  	[smem:$0x3FB9] =	sst s10  }
0x32: {  	s10 =	sld [smem:$0x3FB7];
	_ =	sdelay $0x3  }
0x33: {  	p0 =	seq.s32 s10, $0x1;
	s10 =	sld [smem:$0x3FB9];
	_ =	sdelay $0x3  }
0x34: {  	[smem:$0x3FB9] =	sst s10  }
0x35: {  	s10 =	sld [smem:$0x3FB8];
	_ =	sdelay $0x3  }
0x36: {  	p1 =	seq.s32 s10, $0x1;
	s10 =	sld [smem:$0x3FB9];
	_ =	sdelay $0x3  }
0x37: {  	[smem:$0x3FB9] =	sst s10  }
0x38: {  	s10 =	sld [smem:$0x3FBA]  }
0x39: {  	_ = 	snop;
	(pc) =	sbr.ind lr, $3  }
0x3a: {  	_ = 	snop  }
0x3b: {  	_ = 	snop  }
0x3c: {  	p2 =	seq.s32 s10, $0x1;
	s10 =	sld [smem:$0x3FB9]  }
0x3d: {  	_ =	shalt  }
0x3e: {  	_ =	shalt  }
0x3f: {  	_ =	shalt  }
0x40: {  	_ =	shalt  }
0x41: {  	_ =	shalt  }
0x42: {  	_ =	shalt  }
0x43: {  	_ =	shalt  }
0x44: {  	_ =	shalt  }
0x45: {  	_ =	shalt  }
0x46: {  	_ =	shalt  }
0x47: {  	_ =	shalt  }
0x48: {  	_ =	shalt  }
0x49: {  	_ =	shalt  }
0x4a: {  	_ =	shalt  }
0x4b: {  	_ =	shalt  }
0x4c: {  	_ =	shalt  }
0x4d: {  	_ =	shalt  }
0x4e: {  	_ =	shalt  }
0x4f: {  	_ =	shalt  }
0x50: {  	_ =	shalt  }
0x51: {  	_ =	shalt  }
0x52: {  	_ =	shalt  }
0x53: {  	_ =	shalt  }
0x54: {  	_ =	shalt  }
0x55: {  	_ =	shalt  }
0x56: {  	_ =	shalt  }
0x57: {  	_ =	shalt  }
0x58: {  	_ =	shalt  }
0x59: {  	_ =	shalt  }
0x5a: {  	_ =	shalt  }
0x5b: {  	_ =	shalt  }
0x5c: {  	_ =	shalt  }
0x5d: {  	_ =	shalt  }
0x5e: {  	_ =	shalt  }
0x5f: {  	_ =	shalt  }
0x60: {  	_ =	shalt  }
0x61: {  	_ =	shalt  }
0x62: {  	_ =	shalt  }
0x63: {  	_ =	shalt  }
0x64: {  	_ =	shalt  }
0x65: {  	_ =	shalt  }
0x66: {  	_ =	shalt  }
0x67: {  	_ =	shalt  }
0x68: {  	_ =	shalt  }
0x69: {  	_ =	shalt  }
0x6a: {  	_ =	shalt  }
0x6b: {  	_ =	shalt  }
0x6c: {  	_ =	shalt  }
0x6d: {  	_ =	shalt  }
0x6e: {  	_ =	shalt  }
0x6f: {  	_ =	shalt  }
0x70: {  	_ =	shalt  }
0x71: {  	_ =	shalt  }
0x72: {  	_ =	shalt  }
0x73: {  	_ =	shalt  }
0x74: {  	_ =	shalt  }
0x75: {  	_ =	shalt  }
0x76: {  	_ =	shalt  }
0x77: {  	_ =	shalt  }
0x78: {  	_ =	shalt  }
0x79: {  	_ =	shalt  }
0x7a: {  	_ =	shalt  }
0x7b: {  	_ =	shalt  }
0x7c: {  	_ =	shalt  }
0x7d: {  	_ =	shalt  }
0x7e: {  	_ =	shalt  }
0x7f: {  	_ =	shalt  }
0x80: {  	_ =	shalt  }
0x81: {  	_ =	shalt  }
0x82: {  	_ =	shalt  }
0x83: {  	_ =	shalt  }
0x84: {  	_ =	shalt  }
0x85: {  	_ =	shalt  }
0x86: {  	_ =	shalt  }
0x87: {  	_ =	shalt  }
.Lfunc_end0:
.L_simem_size_0:
called_computation_lowered:
.L_overlay_start_0:
0x88: {  	s2 =	sld [smem:$0x3FD9]  }
0x89: {  	s3 =	sld [smem:$0x3FFE];
	_ =	sdelay $0x1  }
0x8a: {  	s1 =	srdreg.scid  }
0x8b: {  	s0 =	sand.u32 $0x1, s1  }
0x8c: {  	s17 =	sshll.u32 s0, $0xA;
	s2 =	sadd.s32 s3, s2  }
0x8d: {  	s2 =	sadd.s32 s2, s17  }
0x8e: {  	[smem:$0x3FC5] =	sst s2  }
0x8f: {  	_ = 	snop  }
0x90: {  	s2 =	sld [smem:$0x3FC8]  }
0x91: {  	s18 =	sld [smem:$0x3FC7]  }
0x92: {  	s4 =	sld [smem:$0x3FD0];
	(tm) =	ssettm $0x1  }
0x93: {  	s5 =	sld [smem:$0x3FFB];
	_ =	sdelay $0x3  }
0x94: {  	_ =	strace s5  }
0x95: {  	s5 =	sld [smem:$0x3FFC];
	_ =	sdelay $0x3  }
0x96: {  	_ =	strace s5  }
0x97: {  	s5 =	sld [smem:$0x3FFD];
	_ =	sdelay $0x3  }
0x98: {  	_ =	strace s5  }
0x99: {  	_ =	strace $0x8FFFFFFF  }
0x9a: {  	s19 =	sld [smem:$0x3FDB];
	_ =	sdelay $0x1  }
0x9b: {  	s6 =	simm.s32 $_scs_section_size  }
0x9c: {  	s7 =	simm.s32 $_size__tile_overlayer_lowered;
	s8 =	simm.s32 $_tile_overlayer_lowered  }
0x9d: {  	s22 =	simm.s32 $0x1BFF;
	s21 =	sshll.u32 s8, $0x1;
	s5 =	sadd.s32 s6, s19  }
0x9e: {  	s9 =	simm.s32 $0x0;
	s20 =	sshll.u32 s7, $0x1;
	s7 =	sadd.s32 s21, s5  }
0x9f: {  	[timem:s9], [sflag:s22] =	dma.local [hbm:s7], s20  }
0xa0: {  	_ =	swait.ge [sflag:s22], s20  }
0xa1: {  	s6 =	ssub.s32 $0x0, s20;
	[sflag:s22] =	ssyncset.done $0x0  }
0xa2: {  	[sflag:s22] =	ssyncadd.s32 s6;
	_ =	sdelay $0x1  }
0xa3: {  	s23 =	simm.s32 $0x1B8B  }
0xa4: {  	_ =	swait.ge [sflag:s23], $0x1  }
0xa5: {  	[sflag:s23] =	ssyncset.done $0x0  }
0xa6: {  	s25 =	simm.s32 $0x1B8E;
	s24 =	sld [smem:$0x3FFE];
	[sflag:s23] =	ssyncadd.s32 $0xFFFFFFFF  }
0xa7: {  	s26 =	simm.s32 $execute0_lowered;
	[smem:$0x3FD2] =	sst s25  }
0xa8: {  	s7 =	sshll.u32 s26, $0x1;
	_ =	strace $0x80000046;
	[dreg:$0x1] =	wrdreg $0xFFFFFFFF  }
0xa9: {  	s28 =	simm.s32 $_size_execute0_lowered;
	s5 =	sadd.s32 s5, s7;
	[dreg:$0x0] =	wrdreg $0x0  }
0xaa: {  	s7 =	sshll.u32 s28, $0x1;
	[dreg:$0x2] =	wrdreg s5  }
0xab: {  	[dreg:$0x3] =	wrdreg s7  }
0xac: {  	[dreg:$0x4] =	wrdreg $0xC0  }
0xad: {  	_ =	task [dreg:s9], $0x5FFFF  }
0xae: {  	[dreg:$0x1] =	wrdreg $0xFFFFFFFF  }
0xaf: {  	[dreg:$0x0] =	wrdreg $0x60  }
0xb0: {  	[dreg:$0x2] =	wrdreg s24  }
0xb1: {  	[dreg:$0x3] =	wrdreg s2  }
0xb2: {  	[dreg:$0x4] =	wrdreg s18  }
0xb3: {  	[dreg:$0x5] =	wrdreg s4  }
0xb4: {  	[dreg:$0x6] =	wrdreg $0x8000  }
0xb5: {  	[dreg:$0x7] =	wrdreg $0x9  }
0xb6: {  	_ =	task.clear_ibuf [dreg:s9], $0x8FFFF;
	_ =	strace $0x90000046  }
0xb7: {  	s29 =	simm.s32 $0x9;
	_ =	strace $0x80000048  }
0xb8: {  	_ =	swait.ge [sflag:s29], $0x1  }
0xb9: {  	[sflag:s29] =	ssyncadd.s32 $0xFFFFFFFF  }
0xba: {  	_ =	strace $0x90000048  }
0xbb: {  	_ =	sfence  }
0xbc: {  	s30 =	sld [smem:$0x0];
	_ =	sdelay $0x2  }
0xbd: {  	s31 =	sshll.u32 s1, $0xD;
	s1 =	sshrl.u32 s1, $0x2  }
0xbe: {  	s3 =	sand.u32 $0x4000, s31;
	s1 =	sadd.s32 s1, s30  }
0xbf: {  	s0 =	sor.u32 s3, s0;
	s1 =	sshll.u32 s1, $0x11  }
0xc0: {  	s0 =	sor.u32 s1, s0  }
0xc1: {  	s0 =	sadd.s32 $0x8F2B, s0  }
0xc2: {  	[sflag:s0] =	ssyncadd.remote.s32 $0x1  }
0xc3: {  	_ =	sfence.sel $0xFFFF  }
0xc4: {  	[dreg:$0x0] =	wrdreg $0xFFFFFFFF;
	(pc) =	sbr.abs _section_cstart, $3  }
0xc5: {  	[dreg:$0x1] =	wrdreg $0xFFFFFFFF  }
0xc6: {  	_ =	task.clear_ibuf [dreg:s9], $0x2FFFF;
	_ =	strace $0x9FFFFFFF  }
0xc7: {  	(tm) =	ssettm $0x7FFFFFFF  }
tec
execute0_lowered:
.L_overlay_start_1:
0x0: {  	(tag) =	ssettag $0x1  }
0x1: {  	s0 =	rddreg [dreg:$0x0]  }
0x2: {  	s1 =	rddreg [dreg:$0x1]  }
0x3: {  	s11 =	rddreg [dreg:$0x2]  }
0x4: {  	s2 =	rddreg [dreg:$0x3]  }
0x5: {  	s3 =	srdreg.scid;
	s29 =	rddreg [dreg:$0x5]  }
0x6: {  	s4 =	stileid.u32;
	s28 =	simm.s32 $0x200;
	s19 =	simm.s32 $0x80  }
0x7: {  	s22 =	simm.s32 $0x280;
	s18 =	simm.s32 $0xC840;
	s23 =	simm.s32 $0x300  }
0x8: {  	s17 =	simm.s32 $0x10840;
	s24 =	simm.s32 $0x380;
	s20 =	simm.s32 $0x4840  }
0x9: {  	s25 =	simm.s32 $0x100;
	s21 =	simm.s32 $0x3;
	[dreg:$0x6] =	wrdreg s1  }
0xa: {  	p1 =	por $0x0, $0x0;
	s1 =	rddreg [dreg:$0x4];
	s5 =	sand.u32 $0x1, s3  }
0xb: {  	s3 =	simm.s32 $0x0;
	s6 =	sshll.u32 s4, $0x7;
	s26 =	sshll.u32 s4, $0xF  }
0xc: {  	p0 =	sne.s32 s4, $0x0;
	s4 =	simm.s32 $0x8;
	[smem:$0x7FF] =	sst s3  }
0xd: {  	s7 =	sshll.u32 s5, $0x6;
	_ =	strace $0x80000047;
	[dreg:$0x10] =	wrdreg s22  }
0xe: {  	s31 =	sshll.u32 s5, $0xE;
	s12 =	ssub.s32 $0x2, s5;
	[dreg:$0x11] =	wrdreg s23  }
0xf: {  	s6 =	sor.u32 s7, s6;
	s5 =	sshrl.u32 s12, $0x1;
	[dreg:$0x12] =	wrdreg s24  }
0x10: {  	[dreg:$0x13] =	wrdreg s25;
	s25 =	simm.s32 $0x1;
	s24 =	simm.s32 $0x6  }
0x11: {  	s0 =	sadd.s32 s6, s0;
	s6 =	sor.u32 s31, s26;
	s31 =	simm.s32 $0x180  }
0x12: {  	s23 =	simm.s32 $0x2;
	s8 =	sadd.s32 $0x600, s0;
	[dreg:$0x14] =	wrdreg s31  }
0x13: {  	s0 =	sadd.s32 $0xE00, s0;
	s13 =	sadd.s32 s2, s6;
	[dreg:$0x7] =	wrdreg s8  }
0x14: {  	s22 =	simm.s32 $0x7;
	[dreg:$0x8] =	wrdreg s0;
	s6 =	sadd.s32 $0x80, s13  }
0x15: {  	s26 =	simm.s32 $0xC;
	s7 =	sadd.s32 $0x1000, s13;
	[dreg:$0x9] =	wrdreg s6  }
0x16: {  	s2 =	ssub.s32 s12, s5;
	s8 =	sadd.s32 $0x1080, s13;
	[dreg:$0xa] =	wrdreg s7  }
0x17: {  	s9 =	sadd.s32 $0x2000, s13;
	s16 =	smax.u32 s2, $0x1;
	[dreg:$0xb] =	wrdreg s8  }
0x18: {  	s10 =	sadd.s32 $0x2080, s13;
	[dreg:$0xc] =	wrdreg s9;
	s0 =	sadd.s32 $0xFFFFFFFF, s16  }
0x19: {  	s14 =	sadd.s32 $0x3000, s13;
	[dreg:$0xd] =	wrdreg s10;
	p2 =	sne.s32 s0, $0x0  }
.Ltmp0:
0x1a: {  	s15 =	sadd.s32 $0x3080, s13;
	[dreg:$0xe] =	wrdreg s14;
	(pc) =	sbr.rel @!p2 .LBB2_5-.Ltmp0, $4  }
0x1b: {  	s12 =	simm.s32 $0x5;
	s5 =	simm.s32 $0xB;
	[dreg:$0xf] =	wrdreg s15  }
0x1c: {  	s7 =	simm.s32 $0x14840;
	s9 =	simm.s32 $0x18840;
	s6 =	simm.s32 $0x840  }
0x1d: {  	s8 =	simm.s32 $0x400;
	s10 =	simm.s32 $0x800;
	s15 =	simm.s32 $0x4  }
0x1e: {  	s16 =	simm.s32 $0x9;
	s14 =	simm.s32 $0xA;
	s30 =	rddreg [dreg:$0x7]  }
0x1f: {  	[tilespmem:s28], [sflag:$0xC] =	stream.linear.gather [hbm4b:s30+s3], $0x200, $0x38;
	[tilespmem:$0x1C840] =	vst v63  }
0x20: {  	_ =	swait.ge [sflag:s26], $0x200  }
0x21: {  	[sflag:s26] =	ssyncset.done $0x0  }
0x22: {  	[sflag:s26] =	ssyncadd.s32 $0xFFFFFE00  }
0x23: {  	[tilespmem:s18], [sflag:$0x1] =	stream.indirect.gather [hbm4b:s11+s19], $0x80, s28, s19, $0xb8;
	[tilespmem:$0x1C840] =	vst v63  }
0x24: {  	s29 =	rddreg [dreg:$0x10]  }
0x25: {  	[tilespmem:s17], [sflag:$0x2] =	stream.indirect.gather [hbm4b:s11+s19], $0x80, s29, s19, $0xb8;
	[tilespmem:$0x1C840] =	vst v63  }
0x26: {  	s30 =	rddreg [dreg:$0x11]  }
0x27: {  	[tilespmem:s7], [sflag:$0x3] =	stream.indirect.gather [hbm4b:s11+s19], $0x80, s30, s19, $0xb8;
	[tilespmem:$0x1C840] =	vst v63  }
0x28: {  	s29 =	rddreg [dreg:$0x12]  }
0x29: {  	[tilespmem:s9], [sflag:$0x4] =	stream.indirect.gather [hbm4b:s11+s19], $0x80, s29, s19, $0xb8;
	[tilespmem:$0x1C840] =	vst v63  }
0x2a: {  	s30 =	rddreg [dreg:$0x8]  }
0x2b: {  	[tilespmem:s3], [sflag:$0xC] =	stream.linear.gather [hbm4b:s30+s3], $0x200, $0x38;
	[tilespmem:$0x1C840] =	vst v63  }
0x2c: {  	_ =	swait.ge [sflag:s26], $0x200  }
0x2d: {  	s31 =	simm.s32 @!p0 $0x400;
	s29 =	simm.s32 @!p0 $0xC;
	[sflag:s26] =	ssyncset.done $0x0  }
0x2e: {  	s9 =	simm.s32 @!p0 $0x0;
	s30 =	rddreg [dreg:$0x6];
	[sflag:s26] =	ssyncadd.s32 $0xFFFFFE00  }
0x2f: {  	[tilespmem:s31], [sflag:$0xC] =	stream.linear.gather @!p0 [hbm4b:s30+s9], $0x400, $0x38;
	[tilespmem:$0x1C840] =	vst v63  }
0x30: {  	_ =	swait.ge @!p0 [sflag:s29], $0x400  }
0x31: {  	[sflag:s29] =	ssyncset.done @!p0 $0x0  }
0x32: {  	[sflag:s29] =	ssyncadd.s32 @!p0 $0xFFFFFC00  }
0x33: {  	[spmem:s1] =	stream.linear.scatter @!p0 [tilespmem:s31], [sflag:$0xC], $0x400, $0x38;
	[tilespmem:$0x1C840] =	vst v63  }
0x34: {  	_ =	swait.ge @!p0 [sflag:s29], $0x400  }
0x35: {  	[sflag:s29] =	ssyncset.done @!p0 $0x0  }
0x36: {  	[sflag:s29] =	ssyncadd.s32 @!p0 $0xFFFFFC00  }
0x37: {  	[bflag:$0x0] =	sbarrier.arrive $0xFFFF  }
0x38: {  	[tilespmem:s6], [sflag:$0x5] =	stream.indirect.gather [spmem:s1], $0x80, s3, s19, $0xb8;
	[tilespmem:$0x1C840] =	vst v63  }
0x39: {  	_ = 	snop  }
0x3a: {  	[tilespmem:s20], [sflag:$0x6] =	stream.indirect.gather [spmem:s1], $0x80, s19, s19, $0xb8;
	[tilespmem:$0x1C840] =	vst v63  }
0x3b: {  	s2 =	simm.s32 $0x8840;
	s30 =	rddreg [dreg:$0x13]  }
0x3c: {  	[tilespmem:s2], [sflag:$0x7] =	stream.indirect.gather [spmem:s1], $0x80, s30, s19, $0xb8;
	[tilespmem:$0x1C840] =	vst v63  }
0x3d: {  	_ =	swait.ge [sflag:s12], $0x4000  }
0x3e: {  	[sflag:s12] =	ssyncset.done $0x0  }
0x3f: {  	[sflag:s12] =	ssyncadd.s32 $0xFFFFC000  }
0x40: {  	[hbm4b:s13+s8] =	stream.strided.scatter [tilespmem:s6], [sflag:$0x8], $0x4000, s10, s8, $0x38;
	[tilespmem:$0x1C840] =	vst v63  }
0x41: {  	_ =	swait.ge [sflag:s4], $0x4000  }
0x42: {  	[sflag:s4] =	ssyncset.done $0x0  }
0x43: {  	s30 =	rddreg [dreg:$0x14];
	[sflag:s4] =	ssyncadd.s32 $0xFFFFC000  }
0x44: {  	[tilespmem:s6], [sflag:$0x5] =	stream.indirect.gather [spmem:s1], $0x80, s30, s19, $0xb8;
	[tilespmem:$0x1C840] =	vst v63  }
0x45: {  	_ =	swait.ge [sflag:s25], $0x4000  }
0x46: {  	[sflag:s25] =	ssyncset.done $0x0  }
0x47: {  	s30 =	rddreg [dreg:$0x9];
	[sflag:s25] =	ssyncadd.s32 $0xFFFFC000  }
0x48: {  	[hbm4b:s30+s8] =	stream.strided.scatter [tilespmem:s18], [sflag:$0xB], $0x4000, s10, s8, $0x38;
	[tilespmem:$0x1C840] =	vst v63  }
0x49: {  	_ =	swait.ge [sflag:s24], $0x4000  }
0x4a: {  	[sflag:s24] =	ssyncset.done $0x0  }
0x4b: {  	s30 =	rddreg [dreg:$0xa];
	[sflag:s24] =	ssyncadd.s32 $0xFFFFC000  }
0x4c: {  	[hbm4b:s30+s8] =	stream.strided.scatter [tilespmem:s20], [sflag:$0x9], $0x4000, s10, s8, $0x38;
	[tilespmem:$0x1C840] =	vst v63  }
0x4d: {  	_ =	swait.ge [sflag:s23], $0x4000  }
0x4e: {  	[sflag:s23] =	ssyncset.done $0x0  }
0x4f: {  	s17 =	simm.s32 $0x10840;
	s30 =	rddreg [dreg:$0xb];
	[sflag:s23] =	ssyncadd.s32 $0xFFFFC000  }
0x50: {  	[hbm4b:s30+s8] =	stream.strided.scatter [tilespmem:s17], [sflag:$0xB], $0x4000, s10, s8, $0x38;
	[tilespmem:$0x1C840] =	vst v63  }
0x51: {  	_ =	swait.ge [sflag:s22], $0x4000  }
0x52: {  	[sflag:s22] =	ssyncset.done $0x0  }
0x53: {  	s30 =	rddreg [dreg:$0xc];
	[sflag:s22] =	ssyncadd.s32 $0xFFFFC000  }
0x54: {  	[hbm4b:s30+s8] =	stream.strided.scatter [tilespmem:s2], [sflag:$0xA], $0x4000, s10, s8, $0x38;
	[tilespmem:$0x1C840] =	vst v63  }
0x55: {  	_ =	swait.ge [sflag:s21], $0x4000  }
0x56: {  	[sflag:s21] =	ssyncset.done $0x0  }
0x57: {  	s28 =	simm.s32 $0x14840;
	s30 =	rddreg [dreg:$0xd];
	[sflag:s21] =	ssyncadd.s32 $0xFFFFC000  }
0x58: {  	[hbm4b:s30+s8] =	stream.strided.scatter [tilespmem:s28], [sflag:$0xB], $0x4000, s10, s8, $0x38;
	[tilespmem:$0x1C840] =	vst v63  }
0x59: {  	_ =	swait.ge [sflag:s12], $0x4000  }
0x5a: {  	[sflag:s12] =	ssyncset.done $0x0  }
0x5b: {  	s30 =	rddreg [dreg:$0xe];
	[sflag:s12] =	ssyncadd.s32 $0xFFFFC000  }
0x5c: {  	[hbm4b:s30+s8] =	stream.strided.scatter [tilespmem:s6], [sflag:$0x8], $0x4000, s10, s8, $0x38;
	[tilespmem:$0x1C840] =	vst v63  }
0x5d: {  	_ =	swait.ge [sflag:s15], $0x4000  }
0x5e: {  	[sflag:s15] =	ssyncset.done $0x0  }
0x5f: {  	s31 =	simm.s32 $0x18840;
	s30 =	rddreg [dreg:$0xf];
	[sflag:s15] =	ssyncadd.s32 $0xFFFFC000  }
0x60: {  	[hbm4b:s30+s8] =	stream.strided.scatter [tilespmem:s31], [sflag:$0xB], $0x4000, s10, s8, $0x38;
	[tilespmem:$0x1C840] =	vst v63  }
0x61: {  	_ =	swait.ge [sflag:s16], $0x4000  }
0x62: {  	[sflag:s16] =	ssyncset.done $0x0  }
0x63: {  	[sflag:s16] =	ssyncadd.s32 $0xFFFFC000  }
0x64: {  	_ =	swait.ge [sflag:s14], $0x4000  }
0x65: {  	[sflag:s14] =	ssyncset.done $0x0  }
0x66: {  	[sflag:s14] =	ssyncadd.s32 $0xFFFFC000  }
0x67: {  	_ =	swait.ge [sflag:s4], $0x4000  }
0x68: {  	[sflag:s4] =	ssyncset.done $0x0  }
0x69: {  	[sflag:s4] =	ssyncadd.s32 $0xFFFFC000  }
0x6a: {  	_ =	swait.ge [sflag:s5], $0x4000  }
0x6b: {  	[sflag:s5] =	ssyncset.done $0x0  }
0x6c: {  	[sflag:s5] =	ssyncadd.s32 $0xFFFFC000  }
0x6d: {  	_ =	swait.ge [sflag:s5], $0x4000  }
0x6e: {  	s0 =	sadd.s32 $0xFFFFFFFF, s0;
	[sflag:s5] =	ssyncset.done $0x0  }
0x6f: {  	p2 =	sne.s32 s0, $0x0;
	[sflag:s5] =	ssyncadd.s32 $0xFFFFC000  }
.Ltmp1:
0x70: {  	_ =	swait.ge [sflag:s5], $0x4000;
	(pc) =	sbr.rel @!p2 .LBB2_6-.Ltmp1, $4  }
0x71: {  	p1 =	por $0x1, $0x1;
	[sflag:s5] =	ssyncset.done $0x0  }
0x72: {  	s9 =	simm.s32 $0x200;
	s18 =	simm.s32 $0x8840;
	[sflag:s5] =	ssyncadd.s32 $0xFFFFC000  }
0x73: {  	s20 =	simm.s32 $0xC840;
	s17 =	simm.s32 $0x0;
	_ =	swait.ge [sflag:s5], $0x4000  }
0x74: {  	s28 =	simm.s32 $0x4840;
	s30 =	rddreg [dreg:$0x7];
	[sflag:s5] =	ssyncset.done $0x0  }
0x75: {  	s3 =	simm.s32 $0x10840;
	s31 =	simm.s32 $0x14840;
	s7 =	simm.s32 $0x18840  }
.LBB2_3:
0x76: {  	[sflag:s5] =	ssyncadd.s32 $0xFFFFC000  }
0x77: {  	[tilespmem:s9], [sflag:$0xC] =	stream.linear.gather [hbm4b:s30+s17], $0x200, $0x38;
	[tilespmem:$0x1C840] =	vst v63  }
0x78: {  	_ =	swait.ge [sflag:s26], $0x200  }
0x79: {  	[sflag:s26] =	ssyncset.done $0x0  }
0x7a: {  	[sflag:s26] =	ssyncadd.s32 $0xFFFFFE00  }
0x7b: {  	[tilespmem:s20], [sflag:$0x1] =	stream.indirect.gather [hbm4b:s11+s19], $0x80, s9, s19, $0xb8;
	[tilespmem:$0x1C840] =	vst v63  }
0x7c: {  	s30 =	rddreg [dreg:$0x10]  }
0x7d: {  	[tilespmem:s3], [sflag:$0x2] =	stream.indirect.gather [hbm4b:s11+s19], $0x80, s30, s19, $0xb8;
	[tilespmem:$0x1C840] =	vst v63  }
0x7e: {  	s2 =	rddreg [dreg:$0x11]  }
0x7f: {  	[tilespmem:s31], [sflag:$0x3] =	stream.indirect.gather [hbm4b:s11+s19], $0x80, s2, s19, $0xb8;
	[tilespmem:$0x1C840] =	vst v63  }
0x80: {  	s30 =	rddreg [dreg:$0x12]  }
0x81: {  	[tilespmem:s7], [sflag:$0x4] =	stream.indirect.gather [hbm4b:s11+s19], $0x80, s30, s19, $0xb8;
	[tilespmem:$0x1C840] =	vst v63  }
0x82: {  	s2 =	rddreg [dreg:$0x8]  }
0x83: {  	[tilespmem:s17], [sflag:$0xC] =	stream.linear.gather [hbm4b:s2+s17], $0x200, $0x38;
	[tilespmem:$0x1C840] =	vst v63  }
0x84: {  	_ =	swait.ge [sflag:s26], $0x200  }
0x85: {  	s30 =	simm.s32 @!p0 $0x0;
	[sflag:s26] =	ssyncset.done $0x0  }
0x86: {  	s17 =	simm.s32 @!p0 $0x400;
	s2 =	rddreg [dreg:$0x6];
	[sflag:s26] =	ssyncadd.s32 $0xFFFFFE00  }
0x87: {  	[tilespmem:s17], [sflag:$0xC] =	stream.linear.gather @!p0 [hbm4b:s2+s30], $0x400, $0x38;
	[tilespmem:$0x1C840] =	vst v63  }
0x88: {  	_ =	swait.ge @!p0 [sflag:s29], $0x400  }
0x89: {  	[sflag:s29] =	ssyncset.done @!p0 $0x0  }
0x8a: {  	[sflag:s29] =	ssyncadd.s32 @!p0 $0xFFFFFC00  }
0x8b: {  	[spmem:s1] =	stream.linear.scatter @!p0 [tilespmem:s17], [sflag:$0xC], $0x400, $0x38;
	[tilespmem:$0x1C840] =	vst v63  }
0x8c: {  	_ =	swait.ge @!p0 [sflag:s29], $0x400  }
0x8d: {  	[sflag:s29] =	ssyncset.done @!p0 $0x0  }
0x8e: {  	[sflag:s29] =	ssyncadd.s32 @!p0 $0xFFFFFC00  }
0x8f: {  	s17 =	simm.s32 $0x0;
	[bflag:$0x0] =	sbarrier.arrive $0xFFFF  }
0x90: {  	[tilespmem:s6], [sflag:$0x5] =	stream.indirect.gather [spmem:s1], $0x80, s17, s19, $0xb8;
	[tilespmem:$0x1C840] =	vst v63  }
0x91: {  	_ = 	snop  }
0x92: {  	[tilespmem:s28], [sflag:$0x6] =	stream.indirect.gather [spmem:s1], $0x80, s19, s19, $0xb8;
	[tilespmem:$0x1C840] =	vst v63  }
0x93: {  	s2 =	rddreg [dreg:$0x13]  }
0x94: {  	[tilespmem:s18], [sflag:$0x7] =	stream.indirect.gather [spmem:s1], $0x80, s2, s19, $0xb8;
	[tilespmem:$0x1C840] =	vst v63  }
0x95: {  	_ =	swait.ge [sflag:s12], $0x4000  }
0x96: {  	[sflag:s12] =	ssyncset.done $0x0  }
0x97: {  	[sflag:s12] =	ssyncadd.s32 $0xFFFFC000  }
0x98: {  	[hbm4b:s13+s8] =	stream.strided.scatter [tilespmem:s6], [sflag:$0x8], $0x4000, s10, s8, $0x38;
	[tilespmem:$0x1C840] =	vst v63  }
0x99: {  	_ =	swait.ge [sflag:s4], $0x4000  }
0x9a: {  	[sflag:s4] =	ssyncset.done $0x0  }
0x9b: {  	s2 =	rddreg [dreg:$0x14];
	[sflag:s4] =	ssyncadd.s32 $0xFFFFC000  }
0x9c: {  	[tilespmem:s6], [sflag:$0x5] =	stream.indirect.gather [spmem:s1], $0x80, s2, s19, $0xb8;
	[tilespmem:$0x1C840] =	vst v63  }
0x9d: {  	_ =	swait.ge [sflag:s25], $0x4000  }
0x9e: {  	[sflag:s25] =	ssyncset.done $0x0  }
0x9f: {  	s2 =	rddreg [dreg:$0x9];
	[sflag:s25] =	ssyncadd.s32 $0xFFFFC000  }
0xa0: {  	[hbm4b:s2+s8] =	stream.strided.scatter [tilespmem:s20], [sflag:$0xB], $0x4000, s10, s8, $0x38;
	[tilespmem:$0x1C840] =	vst v63  }
0xa1: {  	_ =	swait.ge [sflag:s24], $0x4000  }
0xa2: {  	[sflag:s24] =	ssyncset.done $0x0  }
0xa3: {  	s2 =	rddreg [dreg:$0xa];
	[sflag:s24] =	ssyncadd.s32 $0xFFFFC000  }
0xa4: {  	[hbm4b:s2+s8] =	stream.strided.scatter [tilespmem:s28], [sflag:$0x9], $0x4000, s10, s8, $0x38;
	[tilespmem:$0x1C840] =	vst v63  }
0xa5: {  	_ =	swait.ge [sflag:s23], $0x4000  }
0xa6: {  	[sflag:s23] =	ssyncset.done $0x0  }
0xa7: {  	s2 =	rddreg [dreg:$0xb];
	[sflag:s23] =	ssyncadd.s32 $0xFFFFC000  }
0xa8: {  	[hbm4b:s2+s8] =	stream.strided.scatter [tilespmem:s3], [sflag:$0xB], $0x4000, s10, s8, $0x38;
	[tilespmem:$0x1C840] =	vst v63  }
0xa9: {  	_ =	swait.ge [sflag:s22], $0x4000  }
0xaa: {  	[sflag:s22] =	ssyncset.done $0x0  }
0xab: {  	s2 =	rddreg [dreg:$0xc];
	[sflag:s22] =	ssyncadd.s32 $0xFFFFC000  }
0xac: {  	[hbm4b:s2+s8] =	stream.strided.scatter [tilespmem:s18], [sflag:$0xA], $0x4000, s10, s8, $0x38;
	[tilespmem:$0x1C840] =	vst v63  }
0xad: {  	_ =	swait.ge [sflag:s21], $0x4000  }
0xae: {  	[sflag:s21] =	ssyncset.done $0x0  }
0xaf: {  	s2 =	rddreg [dreg:$0xd];
	[sflag:s21] =	ssyncadd.s32 $0xFFFFC000  }
0xb0: {  	[hbm4b:s2+s8] =	stream.strided.scatter [tilespmem:s31], [sflag:$0xB], $0x4000, s10, s8, $0x38;
	[tilespmem:$0x1C840] =	vst v63  }
0xb1: {  	_ =	swait.ge [sflag:s12], $0x4000  }
0xb2: {  	[sflag:s12] =	ssyncset.done $0x0  }
0xb3: {  	s2 =	rddreg [dreg:$0xe];
	[sflag:s12] =	ssyncadd.s32 $0xFFFFC000  }
0xb4: {  	[hbm4b:s2+s8] =	stream.strided.scatter [tilespmem:s6], [sflag:$0x8], $0x4000, s10, s8, $0x38;
	[tilespmem:$0x1C840] =	vst v63  }
0xb5: {  	_ =	swait.ge [sflag:s15], $0x4000  }
0xb6: {  	[sflag:s15] =	ssyncset.done $0x0  }
0xb7: {  	s2 =	rddreg [dreg:$0xf];
	[sflag:s15] =	ssyncadd.s32 $0xFFFFC000  }
0xb8: {  	[hbm4b:s2+s8] =	stream.strided.scatter [tilespmem:s7], [sflag:$0xB], $0x4000, s10, s8, $0x38;
	[tilespmem:$0x1C840] =	vst v63  }
0xb9: {  	_ =	swait.ge [sflag:s16], $0x4000  }
0xba: {  	[sflag:s16] =	ssyncset.done $0x0  }
0xbb: {  	[sflag:s16] =	ssyncadd.s32 $0xFFFFC000  }
0xbc: {  	_ =	swait.ge [sflag:s14], $0x4000  }
0xbd: {  	[sflag:s14] =	ssyncset.done $0x0  }
0xbe: {  	[sflag:s14] =	ssyncadd.s32 $0xFFFFC000  }
0xbf: {  	_ =	swait.ge [sflag:s4], $0x4000  }
0xc0: {  	[sflag:s4] =	ssyncset.done $0x0  }
0xc1: {  	[sflag:s4] =	ssyncadd.s32 $0xFFFFC000  }
0xc2: {  	_ =	swait.ge [sflag:s5], $0x4000  }
0xc3: {  	[sflag:s5] =	ssyncset.done $0x0  }
0xc4: {  	[sflag:s5] =	ssyncadd.s32 $0xFFFFC000  }
0xc5: {  	_ =	swait.ge [sflag:s5], $0x4000  }
0xc6: {  	s0 =	sadd.s32 $0xFFFFFFFF, s0;
	[sflag:s5] =	ssyncset.done $0x0  }
0xc7: {  	p2 =	sne.s32 s0, $0x0;
	[sflag:s5] =	ssyncadd.s32 $0xFFFFC000  }
.Ltmp2:
0xc8: {  	_ =	swait.ge [sflag:s5], $0x4000;
	(pc) =	sbr.rel @p2 .LBB2_3-.Ltmp2, $4  }
0xc9: {  	[sflag:s5] =	ssyncset.done $0x0  }
0xca: {  	[sflag:s5] =	ssyncadd.s32 $0xFFFFC000  }
0xcb: {  	_ =	swait.ge [sflag:s5], $0x4000  }
0xcc: {  	s30 =	rddreg [dreg:$0x7];
	[sflag:s5] =	ssyncset.done $0x0  }
0xcd: {  	s29 =	rddreg [dreg:$0x5]  }
0xce: {  	s9 =	simm.s32 $0x18840;
	s7 =	simm.s32 $0x14840;
	s17 =	simm.s32 $0x10840  }
0xcf: {  	s18 =	simm.s32 $0xC840;
	s20 =	simm.s32 $0x4840;
	s28 =	simm.s32 $0x200  }
.LBB2_5:
0xd0: {  	[sflag:s5] =	ssyncadd.s32 @p1 $0xFFFFC000;
	s3 =	simm.s32 $0x0  }
0xd1: {  	[tilespmem:s28], [sflag:$0xC] =	stream.linear.gather [hbm4b:s30+s3], $0x200, $0x38;
	[tilespmem:$0x1C840] =	vst v63  }
0xd2: {  	_ =	swait.ge [sflag:s26], $0x200  }
0xd3: {  	[sflag:s26] =	ssyncset.done $0x0  }
0xd4: {  	[sflag:s26] =	ssyncadd.s32 $0xFFFFFE00  }
0xd5: {  	[tilespmem:s18], [sflag:$0x1] =	stream.indirect.gather [hbm4b:s11+s19], $0x80, s28, s19, $0xb8;
	[tilespmem:$0x1C840] =	vst v63  }
0xd6: {  	s0 =	rddreg [dreg:$0x10]  }
0xd7: {  	[tilespmem:s17], [sflag:$0x2] =	stream.indirect.gather [hbm4b:s11+s19], $0x80, s0, s19, $0xb8;
	[tilespmem:$0x1C840] =	vst v63  }
0xd8: {  	s2 =	rddreg [dreg:$0x11]  }
0xd9: {  	[tilespmem:s7], [sflag:$0x3] =	stream.indirect.gather [hbm4b:s11+s19], $0x80, s2, s19, $0xb8;
	[tilespmem:$0x1C840] =	vst v63  }
0xda: {  	s30 =	rddreg [dreg:$0x12]  }
0xdb: {  	[tilespmem:s9], [sflag:$0x4] =	stream.indirect.gather [hbm4b:s11+s19], $0x80, s30, s19, $0xb8;
	[tilespmem:$0x1C840] =	vst v63  }
0xdc: {  	s31 =	rddreg [dreg:$0x8]  }
0xdd: {  	[tilespmem:s3], [sflag:$0xC] =	stream.linear.gather [hbm4b:s31+s3], $0x200, $0x38;
	[tilespmem:$0x1C840] =	vst v63  }
0xde: {  	_ =	swait.ge [sflag:s26], $0x200  }
0xdf: {  	s2 =	simm.s32 @!p0 $0x0;
	[sflag:s26] =	ssyncset.done $0x0  }
0xe0: {  	s11 =	simm.s32 @!p0 $0x400;
	s0 =	rddreg [dreg:$0x6];
	[sflag:s26] =	ssyncadd.s32 $0xFFFFFE00  }
0xe1: {  	[tilespmem:s11], [sflag:$0xC] =	stream.linear.gather @!p0 [hbm4b:s0+s2], $0x400, $0x38;
	[tilespmem:$0x1C840] =	vst v63  }
0xe2: {  	s0 =	simm.s32 @!p0 $0xC  }
0xe3: {  	_ =	swait.ge @!p0 [sflag:s0], $0x400  }
0xe4: {  	[sflag:s0] =	ssyncset.done @!p0 $0x0  }
0xe5: {  	[sflag:s0] =	ssyncadd.s32 @!p0 $0xFFFFFC00  }
0xe6: {  	[spmem:s1] =	stream.linear.scatter @!p0 [tilespmem:s11], [sflag:$0xC], $0x400, $0x38;
	[tilespmem:$0x1C840] =	vst v63  }
0xe7: {  	_ =	swait.ge @!p0 [sflag:s0], $0x400  }
0xe8: {  	[sflag:s0] =	ssyncset.done @!p0 $0x0  }
0xe9: {  	[sflag:s0] =	ssyncadd.s32 @!p0 $0xFFFFFC00  }
0xea: {  	[bflag:$0x0] =	sbarrier.arrive $0xFFFF  }
0xeb: {  	[tilespmem:s6], [sflag:$0x5] =	stream.indirect.gather [spmem:s1], $0x80, s3, s19, $0xb8;
	[tilespmem:$0x1C840] =	vst v63  }
0xec: {  	_ = 	snop  }
0xed: {  	[tilespmem:s20], [sflag:$0x6] =	stream.indirect.gather [spmem:s1], $0x80, s19, s19, $0xb8;
	[tilespmem:$0x1C840] =	vst v63  }
0xee: {  	s2 =	rddreg [dreg:$0x13];
	s3 =	simm.s32 $0x8840  }
0xef: {  	[tilespmem:s3], [sflag:$0x7] =	stream.indirect.gather [spmem:s1], $0x80, s2, s19, $0xb8;
	[tilespmem:$0x1C840] =	vst v63  }
0xf0: {  	_ =	swait.ge [sflag:s12], $0x4000  }
0xf1: {  	[sflag:s12] =	ssyncset.done $0x0  }
0xf2: {  	[sflag:s12] =	ssyncadd.s32 $0xFFFFC000  }
0xf3: {  	[hbm4b:s13+s8] =	stream.strided.scatter [tilespmem:s6], [sflag:$0x8], $0x4000, s10, s8, $0x38;
	[tilespmem:$0x1C840] =	vst v63  }
0xf4: {  	_ =	swait.ge [sflag:s4], $0x4000  }
0xf5: {  	[sflag:s4] =	ssyncset.done $0x0  }
0xf6: {  	s11 =	rddreg [dreg:$0x14];
	[sflag:s4] =	ssyncadd.s32 $0xFFFFC000  }
0xf7: {  	[tilespmem:s6], [sflag:$0x5] =	stream.indirect.gather [spmem:s1], $0x80, s11, s19, $0xb8;
	[tilespmem:$0x1C840] =	vst v63  }
0xf8: {  	_ =	swait.ge [sflag:s25], $0x4000  }
0xf9: {  	[sflag:s25] =	ssyncset.done $0x0  }
0xfa: {  	s13 =	rddreg [dreg:$0x9];
	[sflag:s25] =	ssyncadd.s32 $0xFFFFC000  }
0xfb: {  	[hbm4b:s13+s8] =	stream.strided.scatter [tilespmem:s18], [sflag:$0xB], $0x4000, s10, s8, $0x38;
	[tilespmem:$0x1C840] =	vst v63  }
0xfc: {  	_ =	swait.ge [sflag:s24], $0x4000  }
0xfd: {  	[sflag:s24] =	ssyncset.done $0x0  }
0xfe: {  	s19 =	rddreg [dreg:$0xa];
	[sflag:s24] =	ssyncadd.s32 $0xFFFFC000  }
0xff: {  	[hbm4b:s19+s8] =	stream.strided.scatter [tilespmem:s20], [sflag:$0x9], $0x4000, s10, s8, $0x38;
	[tilespmem:$0x1C840] =	vst v63  }
0x100: {  	_ =	swait.ge [sflag:s23], $0x4000  }
0x101: {  	[sflag:s23] =	ssyncset.done $0x0  }
0x102: {  	s25 =	rddreg [dreg:$0xb];
	[sflag:s23] =	ssyncadd.s32 $0xFFFFC000  }
0x103: {  	[hbm4b:s25+s8] =	stream.strided.scatter [tilespmem:s17], [sflag:$0xB], $0x4000, s10, s8, $0x38;
	[tilespmem:$0x1C840] =	vst v63  }
0x104: {  	_ =	swait.ge [sflag:s22], $0x4000  }
0x105: {  	[sflag:s22] =	ssyncset.done $0x0  }
0x106: {  	s26 =	rddreg [dreg:$0xc];
	[sflag:s22] =	ssyncadd.s32 $0xFFFFC000  }
0x107: {  	[hbm4b:s26+s8] =	stream.strided.scatter [tilespmem:s3], [sflag:$0xA], $0x4000, s10, s8, $0x38;
	[tilespmem:$0x1C840] =	vst v63  }
0x108: {  	_ =	swait.ge [sflag:s21], $0x4000  }
0x109: {  	[sflag:s21] =	ssyncset.done $0x0  }
0x10a: {  	s28 =	rddreg [dreg:$0xd];
	[sflag:s21] =	ssyncadd.s32 $0xFFFFC000  }
0x10b: {  	[hbm4b:s28+s8] =	stream.strided.scatter [tilespmem:s7], [sflag:$0xB], $0x4000, s10, s8, $0x38;
	[tilespmem:$0x1C840] =	vst v63  }
0x10c: {  	_ =	swait.ge [sflag:s12], $0x4000  }
0x10d: {  	[sflag:s12] =	ssyncset.done $0x0  }
0x10e: {  	s30 =	rddreg [dreg:$0xe];
	[sflag:s12] =	ssyncadd.s32 $0xFFFFC000  }
0x10f: {  	[hbm4b:s30+s8] =	stream.strided.scatter [tilespmem:s6], [sflag:$0x8], $0x4000, s10, s8, $0x38;
	[tilespmem:$0x1C840] =	vst v63  }
0x110: {  	_ =	swait.ge [sflag:s15], $0x4000  }
0x111: {  	[sflag:s15] =	ssyncset.done $0x0  }
0x112: {  	s31 =	rddreg [dreg:$0xf];
	[sflag:s15] =	ssyncadd.s32 $0xFFFFC000  }
0x113: {  	[hbm4b:s31+s8] =	stream.strided.scatter [tilespmem:s9], [sflag:$0xB], $0x4000, s10, s8, $0x38;
	[tilespmem:$0x1C840] =	vst v63  }
0x114: {  	_ =	swait.ge [sflag:s16], $0x4000  }
0x115: {  	[sflag:s16] =	ssyncset.done $0x0  }
0x116: {  	[sflag:s16] =	ssyncadd.s32 $0xFFFFC000  }
0x117: {  	_ =	swait.ge [sflag:s14], $0x4000  }
0x118: {  	[sflag:s14] =	ssyncset.done $0x0  }
0x119: {  	[sflag:s14] =	ssyncadd.s32 $0xFFFFC000  }
0x11a: {  	_ =	swait.ge [sflag:s4], $0x4000  }
0x11b: {  	[sflag:s4] =	ssyncset.done $0x0  }
0x11c: {  	[sflag:s4] =	ssyncadd.s32 $0xFFFFC000  }
0x11d: {  	_ =	swait.ge [sflag:s5], $0x4000  }
0x11e: {  	[sflag:s5] =	ssyncset.done $0x0  }
0x11f: {  	[sflag:s5] =	ssyncadd.s32 $0xFFFFC000  }
0x120: {  	_ =	swait.ge [sflag:s5], $0x4000  }
0x121: {  	[sflag:s5] =	ssyncset.done $0x0  }
0x122: {  	[sflag:s5] =	ssyncadd.s32 $0xFFFFC000  }
0x123: {  	_ =	swait.ge [sflag:s5], $0x4000  }
0x124: {  	[sflag:s5] =	ssyncset.done $0x0  }
0x125: {  	[sflag:s5] =	ssyncadd.s32 $0xFFFFC000  }
0x126: {  	_ =	swait.ge [sflag:s5], $0x4000  }
0x127: {  	[sflag:s5] =	ssyncset.done $0x0  }
0x128: {  	[sflag:s5] =	ssyncadd.s32 $0xFFFFC000  }
0x129: {  	_ =	sfence.sel $0x180000  }
0x12a: {  	[bflag:$0x0] =	sbarrier.arrive $0xFFFF  }
0x12b: {  	_ =	strace $0x90000047  }
0x12c: {  	s0 =	sadd.s32 @!p0 $0x100000, s29;
	[bflag:$0x2] =	sbarrier.arrive $0xFFFF  }
0x12d: {  	[sflag:s0] =	ssyncadd.tile.s32 @!p0 $0x1;
	_ =	shalt  }
.LBB2_6:
.Ltmp3:
0x12e: {  	(pc) =	sbr.rel .LBB2_5-.Ltmp3, $4  }
0x12f: {  	_ = 	snop  }
0x130: {  	s29 =	rddreg [dreg:$0x5]  }
0x131: {  	s9 =	simm.s32 $0x18840;
	s7 =	simm.s32 $0x14840;
	s17 =	simm.s32 $0x10840  }
0x132: {  	s18 =	simm.s32 $0xC840;
	s20 =	simm.s32 $0x4840;
	s28 =	simm.s32 $0x200  }
.Lfunc_end2:
_tile_overlayer_lowered:
.L_overlay_start_2:
0x133: {  	(tag) =	ssettag $0x2  }
0x134: {  	s0 =	rddreg [dreg:$0x0];
	s2 =	stileid.u32  }
0x135: {  	s1 =	rddreg [dreg:$0x1];
	p0 =	sne.s32 s2, $0x0  }
0x136: {  	s3 =	rddreg [dreg:$0x2];
	[bflag:$0x3] =	sbarrier.arrive $0xFFFF;
	s2 =	simm.s32 @!p0 $0x1C0C  }
0x137: {  	[timem:s3], [sflag:s2] =	dma.local @!p0 [hbm:s0], s1  }
0x138: {  	s0 =	simm.s32 @!p0 $0xC  }
0x139: {  	_ =	swait.ge @!p0 [sflag:s0], s1  }
0x13a: {  	s1 =	ssub.s32 @!p0 $0x0, s1;
	[sflag:s0] =	ssyncset.done @!p0 $0x0  }
0x13b: {  	[sflag:s0] =	ssyncadd.s32 @!p0 s1  }
0x13c: {  	[bflag:$0x3] =	sbarrier.arrive $0xFFFF  }
0x13d: {  	_ =	shalt  }

</sc_bundles>
